<compile_context>
chip_gen: v7x
topology: tpu7x:2x2x1
jax: 0.10.2.dev20260603
libtpu: 0.0.44.dev20260713+nightly
codegen_flags: <defaults>
</compile_context>

<pallas_src>
import functools
import jax
import jax.numpy as jnp
from jax import lax
from jax.experimental import pallas as pl
from jax.experimental.pallas import tpu as pltpu
from jax.experimental.pallas import tpu_sc as plsc

_L = 16
_C = 64
_NBUF = 2


def _sc_body(tot, D, nw, x_hbm, pos_hbm, tab_hbm, out_hbm,
             ibufs, gbufs, idxs, in_sems, g_sems, out_sems, idx_sems):
    rows_per_w = tot // nw
    nchunks = rows_per_w // _C
    wid = lax.axis_index("s") * 2 + lax.axis_index("c")
    row0 = wid * rows_per_w

    def start_in(g, slot):
        base = row0 + g * _C
        pltpu.make_async_copy(
            x_hbm.at[pl.ds(base, _C)], ibufs.at[slot], in_sems.at[slot]
        ).start()
        pltpu.make_async_copy(
            pos_hbm.at[pl.ds(row0 + g * _C, _C)], idxs.at[slot],
            idx_sems.at[slot],
        ).start()

    def wait_in(slot):
        pltpu.make_async_copy(
            x_hbm.at[pl.ds(0, _C)], ibufs.at[slot], in_sems.at[slot]
        ).wait()

    def start_gather(slot):
        pltpu.make_async_copy(
            pos_hbm.at[pl.ds(0, _C)], idxs.at[slot], idx_sems.at[slot]
        ).wait()
        pltpu.make_async_copy(
            tab_hbm.at[idxs.at[slot]], gbufs.at[slot], g_sems.at[slot]
        ).start()

    def wait_gather(slot):
        pltpu.make_async_copy(
            tab_hbm.at[idxs.at[slot]], gbufs.at[slot], g_sems.at[slot]
        ).wait()

    def start_out(g, slot):
        base = row0 + g * _C
        pltpu.make_async_copy(
            gbufs.at[slot], out_hbm.at[pl.ds(base, _C)], out_sems.at[slot]
        ).start()

    def wait_out(slot):
        pltpu.make_async_copy(
            gbufs.at[slot], out_hbm.at[pl.ds(0, _C)], out_sems.at[slot]
        ).wait()

    start_in(0, 0)
    start_gather(0)

    def chunk_step(g, _):
        slot = lax.rem(g, _NBUF)
        nslot = lax.rem(g + 1, _NBUF)

        @pl.when(g + 1 < nchunks)
        def _():
            @pl.when(g + 1 >= _NBUF)
            def _():
                wait_out(nslot)
            start_in(g + 1, nslot)
            start_gather(nslot)

        wait_in(slot)
        wait_gather(slot)

        @plsc.parallel_loop(0, _C, 1, unroll=2)
        def row_step(r):
            for c in range(D // _L):
                x = ibufs[slot, r, pl.ds(c * _L, _L)]
                t = gbufs[slot, r, pl.ds(c * _L, _L)]
                gbufs[slot, r, pl.ds(c * _L, _L)] = x + t

        start_out(g, slot)
        return 0

    lax.fori_loop(0, nchunks, chunk_step, 0, unroll=False)
    for s in range(_NBUF):
        wait_out(s)


def kernel(inputs, inputs_positions, position_emb):
    B, N, D = inputs.shape
    tot = B * N
    info = plsc.get_sparse_core_info()
    nw = info.num_cores * info.num_subcores

    x = inputs.reshape(tot, D)
    pos = inputs_positions.reshape(tot).astype(jnp.int32)
    table = jnp.squeeze(position_emb, axis=0)

    mesh = plsc.VectorSubcoreMesh(core_axis_name="c", subcore_axis_name="s")
    out = pl.kernel(
        functools.partial(_sc_body, tot, D, nw),
        out_type=jax.ShapeDtypeStruct((tot, D), jnp.float32),
        mesh=mesh,
        scratch_types=[
            pltpu.VMEM((_NBUF, _C, D), jnp.float32),
            pltpu.VMEM((_NBUF, _C, D), jnp.float32),
            pltpu.VMEM((_NBUF, _C), jnp.int32),
            pltpu.SemaphoreType.DMA((_NBUF,)),
            pltpu.SemaphoreType.DMA((_NBUF,)),
            pltpu.SemaphoreType.DMA((_NBUF,)),
            pltpu.SemaphoreType.DMA((_NBUF,)),
        ],
    )(x, pos, table)
    return out.reshape(B, N, D)

# --- scband reference (transcript-rebuilt; emitter-appended) ---
"""Pipeline reference for scband-add-hash-spatial-position-embs-57294863729338 (READ-ONLY COPY).

The authoritative reference and input builder live on the scoring server;
editing this copy changes nothing except your own understanding.
"""

import jax, jax.numpy as jnp
import numpy as np


def setup_inputs(seed: int = 0) -> dict:
    key = jax.random.key(seed)
    k1, k2, k3 = jax.random.split(key, 3)
    B, N, D = 64, 1024, 384
    grid = 10
    inputs = jax.random.normal(k1, (B, N, D), dtype=jnp.float32)
    inputs_positions = jax.random.randint(k2, (B, N), 0, grid * grid, dtype=jnp.int64)
    position_emb = 0.02 * jax.random.normal(k3, (1, grid * grid, D), dtype=jnp.float32)
    return {"inputs": inputs, "inputs_positions": inputs_positions, "position_emb": position_emb}


def reference(inputs, inputs_positions, position_emb):
    # inputs: [B, N, D]; inputs_positions: int[B, N]; position_emb: [1, G*G, D]
    table = jnp.squeeze(position_emb, axis=0)  # [G*G, D]
    gathered = jnp.take(table, inputs_positions, axis=0)  # [B, N, D]
    return inputs + gathered

if __name__ == "__main__":
    import jax
    _d = setup_inputs()
    print(jax.jit(kernel)(*tuple(_d.values())))

</pallas_src>

<mosaic_0001>
#map = affine_map<(d0, d1) -> (0, 0)>
#map1 = affine_map<(d0, d1) -> (0)>
module attributes {stable_mosaic.version = 14 : i64} {
  func.func @_sc_body(%arg0: i32, %arg1: i32, %arg2: memref<65536x384xf32, #tpu.memory_space<hbm>>, %arg3: memref<65536xi32, #tpu.memory_space<hbm>>, %arg4: memref<100x384xf32, #tpu.memory_space<hbm>>, %arg5: memref<65536x384xf32, #tpu.memory_space<hbm>>, %arg6: memref<2x64x384xf32, #tpu.memory_space<vmem>>, %arg7: memref<2x64x384xf32, #tpu.memory_space<vmem>>, %arg8: memref<2x64xi32, #tpu.memory_space<vmem>>, %arg9: memref<2x!tpu.dma_semaphore, #tpu.memory_space<semaphore_mem>>, %arg10: memref<2x!tpu.dma_semaphore, #tpu.memory_space<semaphore_mem>>, %arg11: memref<2x!tpu.dma_semaphore, #tpu.memory_space<semaphore_mem>>, %arg12: memref<2x!tpu.dma_semaphore, #tpu.memory_space<semaphore_mem>>) attributes {dimension_semantics = [#tpu.dimension_semantics<core_parallel>, #tpu.dimension_semantics<subcore_parallel>], iteration_bounds = array<i64: 2, 16>, scalar_prefetch = 0 : i64, scratch_operands = 7 : i64, tpu.core_type = #tpu.core_type<sc_vector_subcore>, window_params = [{transform_indices = #map}, {transform_indices = #map1}, {transform_indices = #map}, {transform_indices = #map}]} {
    %mul3A = arith.constant 2 : i32
    %mul3A_0 = arith.muli %arg1, %mul3A : i32
    %add3A = arith.addi %mul3A_0, %arg0 : i32
    %mul3A_1 = arith.constant 2048 : i32
    %mul3A_2 = arith.muli %add3A, %mul3A_1 : i32
    %add3A_3 = arith.constant 0 : i32
    %add3A_4 = arith.addi %mul3A_2, %add3A_3 : i32
    %dma_start3A = arith.constant 0 : i32
    %dma_start3A_5 = arith.constant 0 : i32
    %dma_start3A_6 = arith.constant 0 : i32
    %dma_start3A_7 = arith.constant 0 : i32
    %dma_start3A_8 = tpu.memref_slice %arg6[%dma_start3A, %dma_start3A_6, %dma_start3A_7] : memref<2x64x384xf32, #tpu.memory_space<vmem>> -> memref<1x64x384xf32, #tpu.memory_space<vmem>>
    %dma_start3A_9 = tpu.memref_squeeze %dma_start3A_8 : memref<1x64x384xf32, #tpu.memory_space<vmem>> -> memref<64x384xf32, #tpu.memory_space<vmem>>
    %dma_start3A_10 = arith.constant 0 : i32
    %dma_start3A_11 = tpu.memref_slice %arg2[%add3A_4, %dma_start3A_10] : memref<65536x384xf32, #tpu.memory_space<hbm>> -> memref<64x384xf32, #tpu.memory_space<hbm>>
    %dma_start3A_12 = tpu.memref_slice %arg9[%dma_start3A_5] : memref<2x!tpu.dma_semaphore, #tpu.memory_space<semaphore_mem>> -> memref<1x!tpu.dma_semaphore, #tpu.memory_space<semaphore_mem>>
    %dma_start3A_13 = tpu.memref_squeeze %dma_start3A_12 : memref<1x!tpu.dma_semaphore, #tpu.memory_space<semaphore_mem>> -> memref<!tpu.dma_semaphore, #tpu.memory_space<semaphore_mem>>
    %dma_start3A_14 = arith.constant 0 : i32
    %dma_start3A_15 = arith.constant 0 : i32
    %dma_start3A_16 = tpu.memref_slice %arg6[%dma_start3A, %dma_start3A_14, %dma_start3A_15] : memref<2x64x384xf32, #tpu.memory_space<vmem>> -> memref<1x64x384xf32, #tpu.memory_space<vmem>>
    %dma_start3A_17 = tpu.memref_squeeze %dma_start3A_16 : memref<1x64x384xf32, #tpu.memory_space<vmem>> -> memref<64x384xf32, #tpu.memory_space<vmem>>
    %dma_start3A_18 = arith.constant 0 : i32
    %dma_start3A_19 = tpu.memref_slice %arg2[%add3A_4, %dma_start3A_18] : memref<65536x384xf32, #tpu.memory_space<hbm>> -> memref<64x384xf32, #tpu.memory_space<hbm>>
    tpu.enqueue_dma source(%dma_start3A_19 : memref<64x384xf32, #tpu.memory_space<hbm>>) target(%dma_start3A_17 : memref<64x384xf32, #tpu.memory_space<vmem>>) target_semaphore(%dma_start3A_13 : memref<!tpu.dma_semaphore, #tpu.memory_space<semaphore_mem>>)
    %add3A_20 = arith.constant 0 : i32
    %add3A_21 = arith.addi %mul3A_2, %add3A_20 : i32
    %dma_start3A_22 = arith.constant 0 : i32
    %dma_start3A_23 = arith.constant 0 : i32
    %dma_start3A_24 = arith.constant 0 : i32
    %dma_start3A_25 = tpu.memref_slice %arg8[%dma_start3A_22, %dma_start3A_24] : memref<2x64xi32, #tpu.memory_space<vmem>> -> memref<1x64xi32, #tpu.memory_space<vmem>>
    %dma_start3A_26 = tpu.memref_squeeze %dma_start3A_25 : memref<1x64xi32, #tpu.memory_space<vmem>> -> memref<64xi32, #tpu.memory_space<vmem>>
    %dma_start3A_27 = tpu.memref_slice %arg3[%add3A_21] : memref<65536xi32, #tpu.memory_space<hbm>> -> memref<64xi32, #tpu.memory_space<hbm>>
    %dma_start3A_28 = tpu.memref_slice %arg12[%dma_start3A_23] : memref<2x!tpu.dma_semaphore, #tpu.memory_space<semaphore_mem>> -> memref<1x!tpu.dma_semaphore, #tpu.memory_space<semaphore_mem>>
    %dma_start3A_29 = tpu.memref_squeeze %dma_start3A_28 : memref<1x!tpu.dma_semaphore, #tpu.memory_space<semaphore_mem>> -> memref<!tpu.dma_semaphore, #tpu.memory_space<semaphore_mem>>
    %dma_start3A_30 = arith.constant 0 : i32
    %dma_start3A_31 = tpu.memref_slice %arg8[%dma_start3A_22, %dma_start3A_30] : memref<2x64xi32, #tpu.memory_space<vmem>> -> memref<1x64xi32, #tpu.memory_space<vmem>>
    %dma_start3A_32 = tpu.memref_squeeze %dma_start3A_31 : memref<1x64xi32, #tpu.memory_space<vmem>> -> memref<64xi32, #tpu.memory_space<vmem>>
    %dma_start3A_33 = tpu.memref_slice %arg3[%add3A_21] : memref<65536xi32, #tpu.memory_space<hbm>> -> memref<64xi32, #tpu.memory_space<hbm>>
    tpu.enqueue_dma source(%dma_start3A_33 : memref<64xi32, #tpu.memory_space<hbm>>) target(%dma_start3A_32 : memref<64xi32, #tpu.memory_space<vmem>>) target_semaphore(%dma_start3A_29 : memref<!tpu.dma_semaphore, #tpu.memory_space<semaphore_mem>>)
    %dma_wait3A = arith.constant 0 : i32
    %dma_wait3A_34 = arith.constant 0 : i32
    %dma_wait3A_35 = arith.constant 0 : i32
    %dma_wait3A_36 = tpu.memref_slice %arg8[%dma_wait3A, %dma_wait3A_35] : memref<2x64xi32, #tpu.memory_space<vmem>> -> memref<1x64xi32, #tpu.memory_space<vmem>>
    %dma_wait3A_37 = tpu.memref_squeeze %dma_wait3A_36 : memref<1x64xi32, #tpu.memory_space<vmem>> -> memref<64xi32, #tpu.memory_space<vmem>>
    %dma_wait3A_38 = arith.constant 0 : i32
    %dma_wait3A_39 = tpu.memref_slice %arg3[%dma_wait3A_38] : memref<65536xi32, #tpu.memory_space<hbm>> -> memref<64xi32, #tpu.memory_space<hbm>>
    %dma_wait3A_40 = tpu.memref_slice %arg12[%dma_wait3A_34] : memref<2x!tpu.dma_semaphore, #tpu.memory_space<semaphore_mem>> -> memref<1x!tpu.dma_semaphore, #tpu.memory_space<semaphore_mem>>
    %dma_wait3A_41 = tpu.memref_squeeze %dma_wait3A_40 : memref<1x!tpu.dma_semaphore, #tpu.memory_space<semaphore_mem>> -> memref<!tpu.dma_semaphore, #tpu.memory_space<semaphore_mem>>
    %dma_wait3A_42 = arith.constant 0 : i32
    %dma_wait3A_43 = tpu.memref_slice %arg8[%dma_wait3A, %dma_wait3A_42] : memref<2x64xi32, #tpu.memory_space<vmem>> -> memref<1x64xi32, #tpu.memory_space<vmem>>
    %dma_wait3A_44 = tpu.memref_squeeze %dma_wait3A_43 : memref<1x64xi32, #tpu.memory_space<vmem>> -> memref<64xi32, #tpu.memory_space<vmem>>
    %dma_wait3A_45 = arith.constant 0 : i32
    %dma_wait3A_46 = tpu.memref_slice %arg3[%dma_wait3A_45] : memref<65536xi32, #tpu.memory_space<hbm>> -> memref<64xi32, #tpu.memory_space<hbm>>
    tpu.wait_dma2 semaphore(%dma_wait3A_41 : memref<!tpu.dma_semaphore, #tpu.memory_space<semaphore_mem>>) src(%dma_wait3A_46 : memref<64xi32, #tpu.memory_space<hbm>>) dst(%dma_wait3A_44 : memref<64xi32, #tpu.memory_space<vmem>>)
    %dma_start3A_47 = arith.constant 0 : i32
    %dma_start3A_48 = arith.constant 0 : i32
    %dma_start3A_49 = arith.constant 0 : i32
    %dma_start3A_50 = arith.constant 0 : i32
    %dma_start3A_51 = arith.constant 0 : i32
    %dma_start3A_52 = tpu.memref_slice %arg7[%dma_start3A_48, %dma_start3A_50, %dma_start3A_51] : memref<2x64x384xf32, #tpu.memory_space<vmem>> -> memref<1x64x384xf32, #tpu.memory_space<vmem>>
    %dma_start3A_53 = tpu.memref_squeeze %dma_start3A_52 : memref<1x64x384xf32, #tpu.memory_space<vmem>> -> memref<64x384xf32, #tpu.memory_space<vmem>>
    %dma_start3A_54 = arith.constant 0 : i32
    %dma_start3A_55 = tpu.memref_slice %arg8[%dma_start3A_47, %dma_start3A_54] : memref<2x64xi32, #tpu.memory_space<vmem>> -> memref<1x64xi32, #tpu.memory_space<vmem>>
    %dma_start3A_56 = tpu.memref_squeeze %dma_start3A_55 : memref<1x64xi32, #tpu.memory_space<vmem>> -> memref<64xi32, #tpu.memory_space<vmem>>
    %dma_start3A_57 = arith.constant 0 : i32
    %dma_start3A_58 = arith.constant 0 : i32
    %dma_start3A_59 = tpu.memref_slice %arg4[%dma_start3A_57, %dma_start3A_58] : memref<100x384xf32, #tpu.memory_space<hbm>> -> memref<100x384xf32, #tpu.memory_space<hbm>>
    %dma_start3A_60 = tpu.memref_slice %arg10[%dma_start3A_49] : memref<2x!tpu.dma_semaphore, #tpu.memory_space<semaphore_mem>> -> memref<1x!tpu.dma_semaphore, #tpu.memory_space<semaphore_mem>>
    %dma_start3A_61 = tpu.memref_squeeze %dma_start3A_60 : memref<1x!tpu.dma_semaphore, #tpu.memory_space<semaphore_mem>> -> memref<!tpu.dma_semaphore, #tpu.memory_space<semaphore_mem>>
    tpu.enqueue_indirect_dma source(%dma_start3A_59 : memref<100x384xf32, #tpu.memory_space<hbm>>) target(%dma_start3A_53 : memref<64x384xf32, #tpu.memory_space<vmem>>) offsets(%dma_start3A_56 : memref<64xi32, #tpu.memory_space<vmem>>) semaphore(%dma_start3A_61 : memref<!tpu.dma_semaphore, #tpu.memory_space<semaphore_mem>>)
    %scan3A = arith.constant 0 : i32
    %scan3A_62 = arith.constant 0 : i32
    %scan3A_63 = arith.constant 32 : i32
    %scan3A_64 = arith.addi %scan3A_62, %scan3A_63 : i32
    %scan3A_65 = arith.constant 1 : i32
    %scan3A_66 = scf.for %scan3A_104 = %scan3A_62 to %scan3A_64 step %scan3A_65 iter_args(%scan3A_105 = %scan3A) -> (i32)  : i32 {
      %rem3A = arith.constant 2 : i32
      %rem3A_106 = arith.remsi %scan3A_104, %rem3A : i32
      %add3A_107 = arith.constant 1 : i32
      %add3A_108 = arith.addi %scan3A_104, %add3A_107 : i32
      %rem3A_109 = arith.constant 2 : i32
      %rem3A_110 = arith.remsi %add3A_108, %rem3A_109 : i32
      %add3A_111 = arith.constant 1 : i32
      %add3A_112 = arith.addi %scan3A_104, %add3A_111 : i32
      %lt3A = arith.constant 32 : i32
      %lt3A_113 = arith.cmpi slt, %add3A_112, %lt3A : i32
      %convert_element_type3A = arith.extui %lt3A_113 : i1 to i32
      %cond3A = arith.constant 0 : i32
      %cond3A_114 = arith.cmpi ne, %convert_element_type3A, %cond3A : i32
      scf.if %cond3A_114 {
        %add3A_163 = arith.constant 1 : i32
        %add3A_164 = arith.addi %scan3A_104, %add3A_163 : i32
        %ge3A = arith.constant 2 : i32
        %ge3A_165 = arith.cmpi sge, %add3A_164, %ge3A : i32
        %convert_element_type3A_166 = arith.extui %ge3A_165 : i1 to i32
        %cond3A_167 = arith.constant 0 : i32
        %cond3A_168 = arith.cmpi ne, %convert_element_type3A_166, %cond3A_167 : i32
        scf.if %cond3A_168 {
          %dma_wait3A_225 = arith.constant 0 : i32
          %dma_wait3A_226 = arith.constant 0 : i32
          %dma_wait3A_227 = tpu.memref_slice %arg7[%rem3A_110, %dma_wait3A_225, %dma_wait3A_226] : memref<2x64x384xf32, #tpu.memory_space<vmem>> -> memref<1x64x384xf32, #tpu.memory_space<vmem>>
          %dma_wait3A_228 = tpu.memref_squeeze %dma_wait3A_227 : memref<1x64x384xf32, #tpu.memory_space<vmem>> -> memref<64x384xf32, #tpu.memory_space<vmem>>
          %dma_wait3A_229 = arith.constant 0 : i32
          %dma_wait3A_230 = arith.constant 0 : i32
          %dma_wait3A_231 = tpu.memref_slice %arg5[%dma_wait3A_229, %dma_wait3A_230] : memref<65536x384xf32, #tpu.memory_space<hbm>> -> memref<64x384xf32, #tpu.memory_space<hbm>>
          %dma_wait3A_232 = tpu.memref_slice %arg11[%rem3A_110] : memref<2x!tpu.dma_semaphore, #tpu.memory_space<semaphore_mem>> -> memref<1x!tpu.dma_semaphore, #tpu.memory_space<semaphore_mem>>
          %dma_wait3A_233 = tpu.memref_squeeze %dma_wait3A_232 : memref<1x!tpu.dma_semaphore, #tpu.memory_space<semaphore_mem>> -> memref<!tpu.dma_semaphore, #tpu.memory_space<semaphore_mem>>
          %dma_wait3A_234 = arith.constant 0 : i32
          %dma_wait3A_235 = arith.constant 0 : i32
          %dma_wait3A_236 = tpu.memref_slice %arg5[%dma_wait3A_234, %dma_wait3A_235] : memref<65536x384xf32, #tpu.memory_space<hbm>> -> memref<64x384xf32, #tpu.memory_space<hbm>>
          %dma_wait3A_237 = arith.constant 0 : i32
          %dma_wait3A_238 = arith.constant 0 : i32
          %dma_wait3A_239 = tpu.memref_slice %arg7[%rem3A_110, %dma_wait3A_237, %dma_wait3A_238] : memref<2x64x384xf32, #tpu.memory_space<vmem>> -> memref<1x64x384xf32, #tpu.memory_space<vmem>>
          %dma_wait3A_240 = tpu.memref_squeeze %dma_wait3A_239 : memref<1x64x384xf32, #tpu.memory_space<vmem>> -> memref<64x384xf32, #tpu.memory_space<vmem>>
          tpu.wait_dma2 semaphore(%dma_wait3A_233 : memref<!tpu.dma_semaphore, #tpu.memory_space<semaphore_mem>>) src(%dma_wait3A_240 : memref<64x384xf32, #tpu.memory_space<vmem>>) dst(%dma_wait3A_236 : memref<64x384xf32, #tpu.memory_space<hbm>>)
        } else {
        }
        %add3A_169 = arith.constant 1 : i32
        %add3A_170 = arith.addi %scan3A_104, %add3A_169 : i32
        %mul3A_171 = arith.constant 64 : i32
        %mul3A_172 = arith.muli %add3A_170, %mul3A_171 : i32
        %add3A_173 = arith.addi %mul3A_2, %mul3A_172 : i32
        %dma_start3A_174 = arith.constant 0 : i32
        %dma_start3A_175 = arith.constant 0 : i32
        %dma_start3A_176 = tpu.memref_slice %arg6[%rem3A_110, %dma_start3A_174, %dma_start3A_175] : memref<2x64x384xf32, #tpu.memory_space<vmem>> -> memref<1x64x384xf32, #tpu.memory_space<vmem>>
        %dma_start3A_177 = tpu.memref_squeeze %dma_start3A_176 : memref<1x64x384xf32, #tpu.memory_space<vmem>> -> memref<64x384xf32, #tpu.memory_space<vmem>>
        %dma_start3A_178 = arith.constant 0 : i32
        %dma_start3A_179 = tpu.memref_slice %arg2[%add3A_173, %dma_start3A_178] : memref<65536x384xf32, #tpu.memory_space<hbm>> -> memref<64x384xf32, #tpu.memory_space<hbm>>
        %dma_start3A_180 = tpu.memref_slice %arg9[%rem3A_110] : memref<2x!tpu.dma_semaphore, #tpu.memory_space<semaphore_mem>> -> memref<1x!tpu.dma_semaphore, #tpu.memory_space<semaphore_mem>>
        %dma_start3A_181 = tpu.memref_squeeze %dma_start3A_180 : memref<1x!tpu.dma_semaphore, #tpu.memory_space<semaphore_mem>> -> memref<!tpu.dma_semaphore, #tpu.memory_space<semaphore_mem>>
        %dma_start3A_182 = arith.constant 0 : i32
        %dma_start3A_183 = arith.constant 0 : i32
        %dma_start3A_184 = tpu.memref_slice %arg6[%rem3A_110, %dma_start3A_182, %dma_start3A_183] : memref<2x64x384xf32, #tpu.memory_space<vmem>> -> memref<1x64x384xf32, #tpu.memory_space<vmem>>
        %dma_start3A_185 = tpu.memref_squeeze %dma_start3A_184 : memref<1x64x384xf32, #tpu.memory_space<vmem>> -> memref<64x384xf32, #tpu.memory_space<vmem>>
        %dma_start3A_186 = arith.constant 0 : i32
        %dma_start3A_187 = tpu.memref_slice %arg2[%add3A_173, %dma_start3A_186] : memref<65536x384xf32, #tpu.memory_space<hbm>> -> memref<64x384xf32, #tpu.memory_space<hbm>>
        tpu.enqueue_dma source(%dma_start3A_187 : memref<64x384xf32, #tpu.memory_space<hbm>>) target(%dma_start3A_185 : memref<64x384xf32, #tpu.memory_space<vmem>>) target_semaphore(%dma_start3A_181 : memref<!tpu.dma_semaphore, #tpu.memory_space<semaphore_mem>>)
        %mul3A_188 = arith.constant 64 : i32
        %mul3A_189 = arith.muli %add3A_170, %mul3A_188 : i32
        %add3A_190 = arith.addi %mul3A_2, %mul3A_189 : i32
        %dma_start3A_191 = arith.constant 0 : i32
        %dma_start3A_192 = tpu.memref_slice %arg8[%rem3A_110, %dma_start3A_191] : memref<2x64xi32, #tpu.memory_space<vmem>> -> memref<1x64xi32, #tpu.memory_space<vmem>>
        %dma_start3A_193 = tpu.memref_squeeze %dma_start3A_192 : memref<1x64xi32, #tpu.memory_space<vmem>> -> memref<64xi32, #tpu.memory_space<vmem>>
        %dma_start3A_194 = tpu.memref_slice %arg3[%add3A_190] : memref<65536xi32, #tpu.memory_space<hbm>> -> memref<64xi32, #tpu.memory_space<hbm>>
        %dma_start3A_195 = tpu.memref_slice %arg12[%rem3A_110] : memref<2x!tpu.dma_semaphore, #tpu.memory_space<semaphore_mem>> -> memref<1x!tpu.dma_semaphore, #tpu.memory_space<semaphore_mem>>
        %dma_start3A_196 = tpu.memref_squeeze %dma_start3A_195 : memref<1x!tpu.dma_semaphore, #tpu.memory_space<semaphore_mem>> -> memref<!tpu.dma_semaphore, #tpu.memory_space<semaphore_mem>>
        %dma_start3A_197 = arith.constant 0 : i32
        %dma_start3A_198 = tpu.memref_slice %arg8[%rem3A_110, %dma_start3A_197] : memref<2x64xi32, #tpu.memory_space<vmem>> -> memref<1x64xi32, #tpu.memory_space<vmem>>
        %dma_start3A_199 = tpu.memref_squeeze %dma_start3A_198 : memref<1x64xi32, #tpu.memory_space<vmem>> -> memref<64xi32, #tpu.memory_space<vmem>>
        %dma_start3A_200 = tpu.memref_slice %arg3[%add3A_190] : memref<65536xi32, #tpu.memory_space<hbm>> -> memref<64xi32, #tpu.memory_space<hbm>>
        tpu.enqueue_dma source(%dma_start3A_200 : memref<64xi32, #tpu.memory_space<hbm>>) target(%dma_start3A_199 : memref<64xi32, #tpu.memory_space<vmem>>) target_semaphore(%dma_start3A_196 : memref<!tpu.dma_semaphore, #tpu.memory_space<semaphore_mem>>)
        %dma_wait3A_201 = arith.constant 0 : i32
        %dma_wait3A_202 = tpu.memref_slice %arg8[%rem3A_110, %dma_wait3A_201] : memref<2x64xi32, #tpu.memory_space<vmem>> -> memref<1x64xi32, #tpu.memory_space<vmem>>
        %dma_wait3A_203 = tpu.memref_squeeze %dma_wait3A_202 : memref<1x64xi32, #tpu.memory_space<vmem>> -> memref<64xi32, #tpu.memory_space<vmem>>
        %dma_wait3A_204 = arith.constant 0 : i32
        %dma_wait3A_205 = tpu.memref_slice %arg3[%dma_wait3A_204] : memref<65536xi32, #tpu.memory_space<hbm>> -> memref<64xi32, #tpu.memory_space<hbm>>
        %dma_wait3A_206 = tpu.memref_slice %arg12[%rem3A_110] : memref<2x!tpu.dma_semaphore, #tpu.memory_space<semaphore_mem>> -> memref<1x!tpu.dma_semaphore, #tpu.memory_space<semaphore_mem>>
        %dma_wait3A_207 = tpu.memref_squeeze %dma_wait3A_206 : memref<1x!tpu.dma_semaphore, #tpu.memory_space<semaphore_mem>> -> memref<!tpu.dma_semaphore, #tpu.memory_space<semaphore_mem>>
        %dma_wait3A_208 = arith.constant 0 : i32
        %dma_wait3A_209 = tpu.memref_slice %arg8[%rem3A_110, %dma_wait3A_208] : memref<2x64xi32, #tpu.memory_space<vmem>> -> memref<1x64xi32, #tpu.memory_space<vmem>>
        %dma_wait3A_210 = tpu.memref_squeeze %dma_wait3A_209 : memref<1x64xi32, #tpu.memory_space<vmem>> -> memref<64xi32, #tpu.memory_space<vmem>>
        %dma_wait3A_211 = arith.constant 0 : i32
        %dma_wait3A_212 = tpu.memref_slice %arg3[%dma_wait3A_211] : memref<65536xi32, #tpu.memory_space<hbm>> -> memref<64xi32, #tpu.memory_space<hbm>>
        tpu.wait_dma2 semaphore(%dma_wait3A_207 : memref<!tpu.dma_semaphore, #tpu.memory_space<semaphore_mem>>) src(%dma_wait3A_212 : memref<64xi32, #tpu.memory_space<hbm>>) dst(%dma_wait3A_210 : memref<64xi32, #tpu.memory_space<vmem>>)
        %dma_start3A_213 = arith.constant 0 : i32
        %dma_start3A_214 = arith.constant 0 : i32
        %dma_start3A_215 = tpu.memref_slice %arg7[%rem3A_110, %dma_start3A_213, %dma_start3A_214] : memref<2x64x384xf32, #tpu.memory_space<vmem>> -> memref<1x64x384xf32, #tpu.memory_space<vmem>>
        %dma_start3A_216 = tpu.memref_squeeze %dma_start3A_215 : memref<1x64x384xf32, #tpu.memory_space<vmem>> -> memref<64x384xf32, #tpu.memory_space<vmem>>
        %dma_start3A_217 = arith.constant 0 : i32
        %dma_start3A_218 = tpu.memref_slice %arg8[%rem3A_110, %dma_start3A_217] : memref<2x64xi32, #tpu.memory_space<vmem>> -> memref<1x64xi32, #tpu.memory_space<vmem>>
        %dma_start3A_219 = tpu.memref_squeeze %dma_start3A_218 : memref<1x64xi32, #tpu.memory_space<vmem>> -> memref<64xi32, #tpu.memory_space<vmem>>
        %dma_start3A_220 = arith.constant 0 : i32
        %dma_start3A_221 = arith.constant 0 : i32
        %dma_start3A_222 = tpu.memref_slice %arg4[%dma_start3A_220, %dma_start3A_221] : memref<100x384xf32, #tpu.memory_space<hbm>> -> memref<100x384xf32, #tpu.memory_space<hbm>>
        %dma_start3A_223 = tpu.memref_slice %arg10[%rem3A_110] : memref<2x!tpu.dma_semaphore, #tpu.memory_space<semaphore_mem>> -> memref<1x!tpu.dma_semaphore, #tpu.memory_space<semaphore_mem>>
        %dma_start3A_224 = tpu.memref_squeeze %dma_start3A_223 : memref<1x!tpu.dma_semaphore, #tpu.memory_space<semaphore_mem>> -> memref<!tpu.dma_semaphore, #tpu.memory_space<semaphore_mem>>
        tpu.enqueue_indirect_dma source(%dma_start3A_222 : memref<100x384xf32, #tpu.memory_space<hbm>>) target(%dma_start3A_216 : memref<64x384xf32, #tpu.memory_space<vmem>>) offsets(%dma_start3A_219 : memref<64xi32, #tpu.memory_space<vmem>>) semaphore(%dma_start3A_224 : memref<!tpu.dma_semaphore, #tpu.memory_space<semaphore_mem>>)
      } else {
      }
      %dma_wait3A_115 = arith.constant 0 : i32
      %dma_wait3A_116 = arith.constant 0 : i32
      %dma_wait3A_117 = tpu.memref_slice %arg6[%rem3A_106, %dma_wait3A_115, %dma_wait3A_116] : memref<2x64x384xf32, #tpu.memory_space<vmem>> -> memref<1x64x384xf32, #tpu.memory_space<vmem>>
      %dma_wait3A_118 = tpu.memref_squeeze %dma_wait3A_117 : memref<1x64x384xf32, #tpu.memory_space<vmem>> -> memref<64x384xf32, #tpu.memory_space<vmem>>
      %dma_wait3A_119 = arith.constant 0 : i32
      %dma_wait3A_120 = arith.constant 0 : i32
      %dma_wait3A_121 = tpu.memref_slice %arg2[%dma_wait3A_119, %dma_wait3A_120] : memref<65536x384xf32, #tpu.memory_space<hbm>> -> memref<64x384xf32, #tpu.memory_space<hbm>>
      %dma_wait3A_122 = tpu.memref_slice %arg9[%rem3A_106] : memref<2x!tpu.dma_semaphore, #tpu.memory_space<semaphore_mem>> -> memref<1x!tpu.dma_semaphore, #tpu.memory_space<semaphore_mem>>
      %dma_wait3A_123 = tpu.memref_squeeze %dma_wait3A_122 : memref<1x!tpu.dma_semaphore, #tpu.memory_space<semaphore_mem>> -> memref<!tpu.dma_semaphore, #tpu.memory_space<semaphore_mem>>
      %dma_wait3A_124 = arith.constant 0 : i32
      %dma_wait3A_125 = arith.constant 0 : i32
      %dma_wait3A_126 = tpu.memref_slice %arg6[%rem3A_106, %dma_wait3A_124, %dma_wait3A_125] : memref<2x64x384xf32, #tpu.memory_space<vmem>> -> memref<1x64x384xf32, #tpu.memory_space<vmem>>
      %dma_wait3A_127 = tpu.memref_squeeze %dma_wait3A_126 : memref<1x64x384xf32, #tpu.memory_space<vmem>> -> memref<64x384xf32, #tpu.memory_space<vmem>>
      %dma_wait3A_128 = arith.constant 0 : i32
      %dma_wait3A_129 = arith.constant 0 : i32
      %dma_wait3A_130 = tpu.memref_slice %arg2[%dma_wait3A_128, %dma_wait3A_129] : memref<65536x384xf32, #tpu.memory_space<hbm>> -> memref<64x384xf32, #tpu.memory_space<hbm>>
      tpu.wait_dma2 semaphore(%dma_wait3A_123 : memref<!tpu.dma_semaphore, #tpu.memory_space<semaphore_mem>>) src(%dma_wait3A_130 : memref<64x384xf32, #tpu.memory_space<hbm>>) dst(%dma_wait3A_127 : memref<64x384xf32, #tpu.memory_space<vmem>>)
      %dma_wait3A_131 = arith.constant 0 : i32
      %dma_wait3A_132 = arith.constant 0 : i32
      %dma_wait3A_133 = tpu.memref_slice %arg7[%rem3A_106, %dma_wait3A_131, %dma_wait3A_132] : memref<2x64x384xf32, #tpu.memory_space<vmem>> -> memref<1x64x384xf32, #tpu.memory_space<vmem>>
      %dma_wait3A_134 = tpu.memref_squeeze %dma_wait3A_133 : memref<1x64x384xf32, #tpu.memory_space<vmem>> -> memref<64x384xf32, #tpu.memory_space<vmem>>
      %dma_wait3A_135 = arith.constant 0 : i32
      %dma_wait3A_136 = tpu.memref_slice %arg8[%rem3A_106, %dma_wait3A_135] : memref<2x64xi32, #tpu.memory_space<vmem>> -> memref<1x64xi32, #tpu.memory_space<vmem>>
      %dma_wait3A_137 = tpu.memref_squeeze %dma_wait3A_136 : memref<1x64xi32, #tpu.memory_space<vmem>> -> memref<64xi32, #tpu.memory_space<vmem>>
      %dma_wait3A_138 = arith.constant 0 : i32
      %dma_wait3A_139 = arith.constant 0 : i32
      %dma_wait3A_140 = tpu.memref_slice %arg4[%dma_wait3A_138, %dma_wait3A_139] : memref<100x384xf32, #tpu.memory_space<hbm>> -> memref<100x384xf32, #tpu.memory_space<hbm>>
      %dma_wait3A_141 = tpu.memref_slice %arg10[%rem3A_106] : memref<2x!tpu.dma_semaphore, #tpu.memory_space<semaphore_mem>> -> memref<1x!tpu.dma_semaphore, #tpu.memory_space<semaphore_mem>>
      %dma_wait3A_142 = tpu.memref_squeeze %dma_wait3A_141 : memref<1x!tpu.dma_semaphore, #tpu.memory_space<semaphore_mem>> -> memref<!tpu.dma_semaphore, #tpu.memory_space<semaphore_mem>>
      tpu.wait_indirect_dma semaphore(%dma_wait3A_142 : memref<!tpu.dma_semaphore, #tpu.memory_space<semaphore_mem>>) src(%dma_wait3A_140 : memref<100x384xf32, #tpu.memory_space<hbm>>) dst(%dma_wait3A_134 : memref<64x384xf32, #tpu.memory_space<vmem>>)
      %parallel_loop3A = arith.constant 0 : i32
      %parallel_loop3A_143 = arith.constant 64 : i32
      %parallel_loop3A_144 = arith.constant 1 : i32
      scf.for %parallel_loop3A_163 = %parallel_loop3A to %parallel_loop3A_143 step %parallel_loop3A_144  : i32 {
        %parallel_loop3A_164 = arith.index_cast %rem3A_106 : i32 to index
        %parallel_loop3A_165 = arith.index_cast %parallel_loop3A_163 : i32 to index
        %parallel_loop3A_166 = arith.constant 0 : index
        %parallel_loop3A_167 = tpu.vector_load %arg6[%parallel_loop3A_164, %parallel_loop3A_165, %parallel_loop3A_166] {strides = array<i32>} : memref<2x64x384xf32, #tpu.memory_space<vmem>>, vector<1x1x16xf32>,
        %parallel_loop3A_168 = vector.shape_cast %parallel_loop3A_167 : vector<1x1x16xf32> to vector<16xf32>
        %parallel_loop3A_169 = arith.index_cast %rem3A_106 : i32 to index
        %parallel_loop3A_170 = arith.index_cast %parallel_loop3A_163 : i32 to index
        %parallel_loop3A_171 = arith.constant 0 : index
        %parallel_loop3A_172 = tpu.vector_load %arg7[%parallel_loop3A_169, %parallel_loop3A_170, %parallel_loop3A_171] {strides = array<i32>} : memref<2x64x384xf32, #tpu.memory_space<vmem>>, vector<1x1x16xf32>,
        %parallel_loop3A_173 = vector.shape_cast %parallel_loop3A_172 : vector<1x1x16xf32> to vector<16xf32>
        %parallel_loop3A_174 = arith.addf %parallel_loop3A_168, %parallel_loop3A_173 : vector<16xf32>
        %parallel_loop3A_175 = arith.index_cast %rem3A_106 : i32 to index
        %parallel_loop3A_176 = arith.index_cast %parallel_loop3A_163 : i32 to index
        %parallel_loop3A_177 = arith.constant 0 : index
        %parallel_loop3A_178 = tpu.vector_load %arg7[%parallel_loop3A_175, %parallel_loop3A_176, %parallel_loop3A_177] {strides = array<i32>} : memref<2x64x384xf32, #tpu.memory_space<vmem>>, vector<1x1x16xf32>,
        %parallel_loop3A_179 = vector.shape_cast %parallel_loop3A_178 : vector<1x1x16xf32> to vector<16xf32>
        %parallel_loop3A_180 = vector.shape_cast %parallel_loop3A_174 : vector<16xf32> to vector<1x1x16xf32>
        tpu.vector_store %arg7[%parallel_loop3A_175, %parallel_loop3A_176, %parallel_loop3A_177], %parallel_loop3A_180 {strides = array<i32>} : memref<2x64x384xf32, #tpu.memory_space<vmem>>, vector<1x1x16xf32>,
        %parallel_loop3A_181 = arith.index_cast %rem3A_106 : i32 to index
        %parallel_loop3A_182 = arith.index_cast %parallel_loop3A_163 : i32 to index
        %parallel_loop3A_183 = arith.constant 16 : index
        %parallel_loop3A_184 = tpu.vector_load %arg6[%parallel_loop3A_181, %parallel_loop3A_182, %parallel_loop3A_183] {strides = array<i32>} : memref<2x64x384xf32, #tpu.memory_space<vmem>>, vector<1x1x16xf32>,
        %parallel_loop3A_185 = vector.shape_cast %parallel_loop3A_184 : vector<1x1x16xf32> to vector<16xf32>
        %parallel_loop3A_186 = arith.index_cast %rem3A_106 : i32 to index
        %parallel_loop3A_187 = arith.index_cast %parallel_loop3A_163 : i32 to index
        %parallel_loop3A_188 = arith.constant 16 : index
        %parallel_loop3A_189 = tpu.vector_load %arg7[%parallel_loop3A_186, %parallel_loop3A_187, %parallel_loop3A_188] {strides = array<i32>} : memref<2x64x384xf32, #tpu.memory_space<vmem>>, vector<1x1x16xf32>,
        %parallel_loop3A_190 = vector.shape_cast %parallel_loop3A_189 : vector<1x1x16xf32> to vector<16xf32>
        %parallel_loop3A_191 = arith.addf %parallel_loop3A_185, %parallel_loop3A_190 : vector<16xf32>
        %parallel_loop3A_192 = arith.index_cast %rem3A_106 : i32 to index
        %parallel_loop3A_193 = arith.index_cast %parallel_loop3A_163 : i32 to index
        %parallel_loop3A_194 = arith.constant 16 : index
        %parallel_loop3A_195 = tpu.vector_load %arg7[%parallel_loop3A_192, %parallel_loop3A_193, %parallel_loop3A_194] {strides = array<i32>} : memref<2x64x384xf32, #tpu.memory_space<vmem>>, vector<1x1x16xf32>,
        %parallel_loop3A_196 = vector.shape_cast %parallel_loop3A_195 : vector<1x1x16xf32> to vector<16xf32>
        %parallel_loop3A_197 = vector.shape_cast %parallel_loop3A_191 : vector<16xf32> to vector<1x1x16xf32>
        tpu.vector_store %arg7[%parallel_loop3A_192, %parallel_loop3A_193, %parallel_loop3A_194], %parallel_loop3A_197 {strides = array<i32>} : memref<2x64x384xf32, #tpu.memory_space<vmem>>, vector<1x1x16xf32>,
        %parallel_loop3A_198 = arith.index_cast %rem3A_106 : i32 to index
        %parallel_loop3A_199 = arith.index_cast %parallel_loop3A_163 : i32 to index
        %parallel_loop3A_200 = arith.constant 32 : index
        %parallel_loop3A_201 = tpu.vector_load %arg6[%parallel_loop3A_198, %parallel_loop3A_199, %parallel_loop3A_200] {strides = array<i32>} : memref<2x64x384xf32, #tpu.memory_space<vmem>>, vector<1x1x16xf32>,
        %parallel_loop3A_202 = vector.shape_cast %parallel_loop3A_201 : vector<1x1x16xf32> to vector<16xf32>
        %parallel_loop3A_203 = arith.index_cast %rem3A_106 : i32 to index
        %parallel_loop3A_204 = arith.index_cast %parallel_loop3A_163 : i32 to index
        %parallel_loop3A_205 = arith.constant 32 : index
        %parallel_loop3A_206 = tpu.vector_load %arg7[%parallel_loop3A_203, %parallel_loop3A_204, %parallel_loop3A_205] {strides = array<i32>} : memref<2x64x384xf32, #tpu.memory_space<vmem>>, vector<1x1x16xf32>,
        %parallel_loop3A_207 = vector.shape_cast %parallel_loop3A_206 : vector<1x1x16xf32> to vector<16xf32>
        %parallel_loop3A_208 = arith.addf %parallel_loop3A_202, %parallel_loop3A_207 : vector<16xf32>
        %parallel_loop3A_209 = arith.index_cast %rem3A_106 : i32 to index
        %parallel_loop3A_210 = arith.index_cast %parallel_loop3A_163 : i32 to index
        %parallel_loop3A_211 = arith.constant 32 : index
        %parallel_loop3A_212 = tpu.vector_load %arg7[%parallel_loop3A_209, %parallel_loop3A_210, %parallel_loop3A_211] {strides = array<i32>} : memref<2x64x384xf32, #tpu.memory_space<vmem>>, vector<1x1x16xf32>,
        %parallel_loop3A_213 = vector.shape_cast %parallel_loop3A_212 : vector<1x1x16xf32> to vector<16xf32>
        %parallel_loop3A_214 = vector.shape_cast %parallel_loop3A_208 : vector<16xf32> to vector<1x1x16xf32>
        tpu.vector_store %arg7[%parallel_loop3A_209, %parallel_loop3A_210, %parallel_loop3A_211], %parallel_loop3A_214 {strides = array<i32>} : memref<2x64x384xf32, #tpu.memory_space<vmem>>, vector<1x1x16xf32>,
        %parallel_loop3A_215 = arith.index_cast %rem3A_106 : i32 to index
        %parallel_loop3A_216 = arith.index_cast %parallel_loop3A_163 : i32 to index
        %parallel_loop3A_217 = arith.constant 48 : index
        %parallel_loop3A_218 = tpu.vector_load %arg6[%parallel_loop3A_215, %parallel_loop3A_216, %parallel_loop3A_217] {strides = array<i32>} : memref<2x64x384xf32, #tpu.memory_space<vmem>>, vector<1x1x16xf32>,
        %parallel_loop3A_219 = vector.shape_cast %parallel_loop3A_218 : vector<1x1x16xf32> to vector<16xf32>
        %parallel_loop3A_220 = arith.index_cast %rem3A_106 : i32 to index
        %parallel_loop3A_221 = arith.index_cast %parallel_loop3A_163 : i32 to index
        %parallel_loop3A_222 = arith.constant 48 : index
        %parallel_loop3A_223 = tpu.vector_load %arg7[%parallel_loop3A_220, %parallel_loop3A_221, %parallel_loop3A_222] {strides = array<i32>} : memref<2x64x384xf32, #tpu.memory_space<vmem>>, vector<1x1x16xf32>,
        %parallel_loop3A_224 = vector.shape_cast %parallel_loop3A_223 : vector<1x1x16xf32> to vector<16xf32>
        %parallel_loop3A_225 = arith.addf %parallel_loop3A_219, %parallel_loop3A_224 : vector<16xf32>
        %parallel_loop3A_226 = arith.index_cast %rem3A_106 : i32 to index
        %parallel_loop3A_227 = arith.index_cast %parallel_loop3A_163 : i32 to index
        %parallel_loop3A_228 = arith.constant 48 : index
        %parallel_loop3A_229 = tpu.vector_load %arg7[%parallel_loop3A_226, %parallel_loop3A_227, %parallel_loop3A_228] {strides = array<i32>} : memref<2x64x384xf32, #tpu.memory_space<vmem>>, vector<1x1x16xf32>,
        %parallel_loop3A_230 = vector.shape_cast %parallel_loop3A_229 : vector<1x1x16xf32> to vector<16xf32>
        %parallel_loop3A_231 = vector.shape_cast %parallel_loop3A_225 : vector<16xf32> to vector<1x1x16xf32>
        tpu.vector_store %arg7[%parallel_loop3A_226, %parallel_loop3A_227, %parallel_loop3A_228], %parallel_loop3A_231 {strides = array<i32>} : memref<2x64x384xf32, #tpu.memory_space<vmem>>, vector<1x1x16xf32>,
        %parallel_loop3A_232 = arith.index_cast %rem3A_106 : i32 to index
        %parallel_loop3A_233 = arith.index_cast %parallel_loop3A_163 : i32 to index
        %parallel_loop3A_234 = arith.constant 64 : index
        %parallel_loop3A_235 = tpu.vector_load %arg6[%parallel_loop3A_232, %parallel_loop3A_233, %parallel_loop3A_234] {strides = array<i32>} : memref<2x64x384xf32, #tpu.memory_space<vmem>>, vector<1x1x16xf32>,
        %parallel_loop3A_236 = vector.shape_cast %parallel_loop3A_235 : vector<1x1x16xf32> to vector<16xf32>
        %parallel_loop3A_237 = arith.index_cast %rem3A_106 : i32 to index
        %parallel_loop3A_238 = arith.index_cast %parallel_loop3A_163 : i32 to index
        %parallel_loop3A_239 = arith.constant 64 : index
        %parallel_loop3A_240 = tpu.vector_load %arg7[%parallel_loop3A_237, %parallel_loop3A_238, %parallel_loop3A_239] {strides = array<i32>} : memref<2x64x384xf32, #tpu.memory_space<vmem>>, vector<1x1x16xf32>,
        %parallel_loop3A_241 = vector.shape_cast %parallel_loop3A_240 : vector<1x1x16xf32> to vector<16xf32>
        %parallel_loop3A_242 = arith.addf %parallel_loop3A_236, %parallel_loop3A_241 : vector<16xf32>
        %parallel_loop3A_243 = arith.index_cast %rem3A_106 : i32 to index
        %parallel_loop3A_244 = arith.index_cast %parallel_loop3A_163 : i32 to index
        %parallel_loop3A_245 = arith.constant 64 : index
        %parallel_loop3A_246 = tpu.vector_load %arg7[%parallel_loop3A_243, %parallel_loop3A_244, %parallel_loop3A_245] {strides = array<i32>} : memref<2x64x384xf32, #tpu.memory_space<vmem>>, vector<1x1x16xf32>,
        %parallel_loop3A_247 = vector.shape_cast %parallel_loop3A_246 : vector<1x1x16xf32> to vector<16xf32>
        %parallel_loop3A_248 = vector.shape_cast %parallel_loop3A_242 : vector<16xf32> to vector<1x1x16xf32>
        tpu.vector_store %arg7[%parallel_loop3A_243, %parallel_loop3A_244, %parallel_loop3A_245], %parallel_loop3A_248 {strides = array<i32>} : memref<2x64x384xf32, #tpu.memory_space<vmem>>, vector<1x1x16xf32>,
        %parallel_loop3A_249 = arith.index_cast %rem3A_106 : i32 to index
        %parallel_loop3A_250 = arith.index_cast %parallel_loop3A_163 : i32 to index
        %parallel_loop3A_251 = arith.constant 80 : index
        %parallel_loop3A_252 = tpu.vector_load %arg6[%parallel_loop3A_249, %parallel_loop3A_250, %parallel_loop3A_251] {strides = array<i32>} : memref<2x64x384xf32, #tpu.memory_space<vmem>>, vector<1x1x16xf32>,
        %parallel_loop3A_253 = vector.shape_cast %parallel_loop3A_252 : vector<1x1x16xf32> to vector<16xf32>
        %parallel_loop3A_254 = arith.index_cast %rem3A_106 : i32 to index
        %parallel_loop3A_255 = arith.index_cast %parallel_loop3A_163 : i32 to index
        %parallel_loop3A_256 = arith.constant 80 : index
        %parallel_loop3A_257 = tpu.vector_load %arg7[%parallel_loop3A_254, %parallel_loop3A_255, %parallel_loop3A_256] {strides = array<i32>} : memref<2x64x384xf32, #tpu.memory_space<vmem>>, vector<1x1x16xf32>,
        %parallel_loop3A_258 = vector.shape_cast %parallel_loop3A_257 : vector<1x1x16xf32> to vector<16xf32>
        %parallel_loop3A_259 = arith.addf %parallel_loop3A_253, %parallel_loop3A_258 : vector<16xf32>
        %parallel_loop3A_260 = arith.index_cast %rem3A_106 : i32 to index
        %parallel_loop3A_261 = arith.index_cast %parallel_loop3A_163 : i32 to index
        %parallel_loop3A_262 = arith.constant 80 : index
        %parallel_loop3A_263 = tpu.vector_load %arg7[%parallel_loop3A_260, %parallel_loop3A_261, %parallel_loop3A_262] {strides = array<i32>} : memref<2x64x384xf32, #tpu.memory_space<vmem>>, vector<1x1x16xf32>,
        %parallel_loop3A_264 = vector.shape_cast %parallel_loop3A_263 : vector<1x1x16xf32> to vector<16xf32>
        %parallel_loop3A_265 = vector.shape_cast %parallel_loop3A_259 : vector<16xf32> to vector<1x1x16xf32>
        tpu.vector_store %arg7[%parallel_loop3A_260, %parallel_loop3A_261, %parallel_loop3A_262], %parallel_loop3A_265 {strides = array<i32>} : memref<2x64x384xf32, #tpu.memory_space<vmem>>, vector<1x1x16xf32>,
        %parallel_loop3A_266 = arith.index_cast %rem3A_106 : i32 to index
        %parallel_loop3A_267 = arith.index_cast %parallel_loop3A_163 : i32 to index
        %parallel_loop3A_268 = arith.constant 96 : index
        %parallel_loop3A_269 = tpu.vector_load %arg6[%parallel_loop3A_266, %parallel_loop3A_267, %parallel_loop3A_268] {strides = array<i32>} : memref<2x64x384xf32, #tpu.memory_space<vmem>>, vector<1x1x16xf32>,
        %parallel_loop3A_270 = vector.shape_cast %parallel_loop3A_269 : vector<1x1x16xf32> to vector<16xf32>
        %parallel_loop3A_271 = arith.index_cast %rem3A_106 : i32 to index
        %parallel_loop3A_272 = arith.index_cast %parallel_loop3A_163 : i32 to index
        %parallel_loop3A_273 = arith.constant 96 : index
        %parallel_loop3A_274 = tpu.vector_load %arg7[%parallel_loop3A_271, %parallel_loop3A_272, %parallel_loop3A_273] {strides = array<i32>} : memref<2x64x384xf32, #tpu.memory_space<vmem>>, vector<1x1x16xf32>,
        %parallel_loop3A_275 = vector.shape_cast %parallel_loop3A_274 : vector<1x1x16xf32> to vector<16xf32>
        %parallel_loop3A_276 = arith.addf %parallel_loop3A_270, %parallel_loop3A_275 : vector<16xf32>
        %parallel_loop3A_277 = arith.index_cast %rem3A_106 : i32 to index
        %parallel_loop3A_278 = arith.index_cast %parallel_loop3A_163 : i32 to index
        %parallel_loop3A_279 = arith.constant 96 : index
        %parallel_loop3A_280 = tpu.vector_load %arg7[%parallel_loop3A_277, %parallel_loop3A_278, %parallel_loop3A_279] {strides = array<i32>} : memref<2x64x384xf32, #tpu.memory_space<vmem>>, vector<1x1x16xf32>,
        %parallel_loop3A_281 = vector.shape_cast %parallel_loop3A_280 : vector<1x1x16xf32> to vector<16xf32>
        %parallel_loop3A_282 = vector.shape_cast %parallel_loop3A_276 : vector<16xf32> to vector<1x1x16xf32>
        tpu.vector_store %arg7[%parallel_loop3A_277, %parallel_loop3A_278, %parallel_loop3A_279], %parallel_loop3A_282 {strides = array<i32>} : memref<2x64x384xf32, #tpu.memory_space<vmem>>, vector<1x1x16xf32>,
        %parallel_loop3A_283 = arith.index_cast %rem3A_106 : i32 to index
        %parallel_loop3A_284 = arith.index_cast %parallel_loop3A_163 : i32 to index
        %parallel_loop3A_285 = arith.constant 112 : index
        %parallel_loop3A_286 = tpu.vector_load %arg6[%parallel_loop3A_283, %parallel_loop3A_284, %parallel_loop3A_285] {strides = array<i32>} : memref<2x64x384xf32, #tpu.memory_space<vmem>>, vector<1x1x16xf32>,
        %parallel_loop3A_287 = vector.shape_cast %parallel_loop3A_286 : vector<1x1x16xf32> to vector<16xf32>
        %parallel_loop3A_288 = arith.index_cast %rem3A_106 : i32 to index
        %parallel_loop3A_289 = arith.index_cast %parallel_loop3A_163 : i32 to index
        %parallel_loop3A_290 = arith.constant 112 : index
        %parallel_loop3A_291 = tpu.vector_load %arg7[%parallel_loop3A_288, %parallel_loop3A_289, %parallel_loop3A_290] {strides = array<i32>} : memref<2x64x384xf32, #tpu.memory_space<vmem>>, vector<1x1x16xf32>,
        %parallel_loop3A_292 = vector.shape_cast %parallel_loop3A_291 : vector<1x1x16xf32> to vector<16xf32>
        %parallel_loop3A_293 = arith.addf %parallel_loop3A_287, %parallel_loop3A_292 : vector<16xf32>
        %parallel_loop3A_294 = arith.index_cast %rem3A_106 : i32 to index
        %parallel_loop3A_295 = arith.index_cast %parallel_loop3A_163 : i32 to index
        %parallel_loop3A_296 = arith.constant 112 : index
        %parallel_loop3A_297 = tpu.vector_load %arg7[%parallel_loop3A_294, %parallel_loop3A_295, %parallel_loop3A_296] {strides = array<i32>} : memref<2x64x384xf32, #tpu.memory_space<vmem>>, vector<1x1x16xf32>,
        %parallel_loop3A_298 = vector.shape_cast %parallel_loop3A_297 : vector<1x1x16xf32> to vector<16xf32>
        %parallel_loop3A_299 = vector.shape_cast %parallel_loop3A_293 : vector<16xf32> to vector<1x1x16xf32>
        tpu.vector_store %arg7[%parallel_loop3A_294, %parallel_loop3A_295, %parallel_loop3A_296], %parallel_loop3A_299 {strides = array<i32>} : memref<2x64x384xf32, #tpu.memory_space<vmem>>, vector<1x1x16xf32>,
        %parallel_loop3A_300 = arith.index_cast %rem3A_106 : i32 to index
        %parallel_loop3A_301 = arith.index_cast %parallel_loop3A_163 : i32 to index
        %parallel_loop3A_302 = arith.constant 128 : index
        %parallel_loop3A_303 = tpu.vector_load %arg6[%parallel_loop3A_300, %parallel_loop3A_301, %parallel_loop3A_302] {strides = array<i32>} : memref<2x64x384xf32, #tpu.memory_space<vmem>>, vector<1x1x16xf32>,
        %parallel_loop3A_304 = vector.shape_cast %parallel_loop3A_303 : vector<1x1x16xf32> to vector<16xf32>
        %parallel_loop3A_305 = arith.index_cast %rem3A_106 : i32 to index
        %parallel_loop3A_306 = arith.index_cast %parallel_loop3A_163 : i32 to index
        %parallel_loop3A_307 = arith.constant 128 : index
        %parallel_loop3A_308 = tpu.vector_load %arg7[%parallel_loop3A_305, %parallel_loop3A_306, %parallel_loop3A_307] {strides = array<i32>} : memref<2x64x384xf32, #tpu.memory_space<vmem>>, vector<1x1x16xf32>,
        %parallel_loop3A_309 = vector.shape_cast %parallel_loop3A_308 : vector<1x1x16xf32> to vector<16xf32>
        %parallel_loop3A_310 = arith.addf %parallel_loop3A_304, %parallel_loop3A_309 : vector<16xf32>
        %parallel_loop3A_311 = arith.index_cast %rem3A_106 : i32 to index
        %parallel_loop3A_312 = arith.index_cast %parallel_loop3A_163 : i32 to index
        %parallel_loop3A_313 = arith.constant 128 : index
        %parallel_loop3A_314 = tpu.vector_load %arg7[%parallel_loop3A_311, %parallel_loop3A_312, %parallel_loop3A_313] {strides = array<i32>} : memref<2x64x384xf32, #tpu.memory_space<vmem>>, vector<1x1x16xf32>,
        %parallel_loop3A_315 = vector.shape_cast %parallel_loop3A_314 : vector<1x1x16xf32> to vector<16xf32>
        %parallel_loop3A_316 = vector.shape_cast %parallel_loop3A_310 : vector<16xf32> to vector<1x1x16xf32>
        tpu.vector_store %arg7[%parallel_loop3A_311, %parallel_loop3A_312, %parallel_loop3A_313], %parallel_loop3A_316 {strides = array<i32>} : memref<2x64x384xf32, #tpu.memory_space<vmem>>, vector<1x1x16xf32>,
        %parallel_loop3A_317 = arith.index_cast %rem3A_106 : i32 to index
        %parallel_loop3A_318 = arith.index_cast %parallel_loop3A_163 : i32 to index
        %parallel_loop3A_319 = arith.constant 144 : index
        %parallel_loop3A_320 = tpu.vector_load %arg6[%parallel_loop3A_317, %parallel_loop3A_318, %parallel_loop3A_319] {strides = array<i32>} : memref<2x64x384xf32, #tpu.memory_space<vmem>>, vector<1x1x16xf32>,
        %parallel_loop3A_321 = vector.shape_cast %parallel_loop3A_320 : vector<1x1x16xf32> to vector<16xf32>
        %parallel_loop3A_322 = arith.index_cast %rem3A_106 : i32 to index
        %parallel_loop3A_323 = arith.index_cast %parallel_loop3A_163 : i32 to index
        %parallel_loop3A_324 = arith.constant 144 : index
        %parallel_loop3A_325 = tpu.vector_load %arg7[%parallel_loop3A_322, %parallel_loop3A_323, %parallel_loop3A_324] {strides = array<i32>} : memref<2x64x384xf32, #tpu.memory_space<vmem>>, vector<1x1x16xf32>,
        %parallel_loop3A_326 = vector.shape_cast %parallel_loop3A_325 : vector<1x1x16xf32> to vector<16xf32>
        %parallel_loop3A_327 = arith.addf %parallel_loop3A_321, %parallel_loop3A_326 : vector<16xf32>
        %parallel_loop3A_328 = arith.index_cast %rem3A_106 : i32 to index
        %parallel_loop3A_329 = arith.index_cast %parallel_loop3A_163 : i32 to index
        %parallel_loop3A_330 = arith.constant 144 : index
        %parallel_loop3A_331 = tpu.vector_load %arg7[%parallel_loop3A_328, %parallel_loop3A_329, %parallel_loop3A_330] {strides = array<i32>} : memref<2x64x384xf32, #tpu.memory_space<vmem>>, vector<1x1x16xf32>,
        %parallel_loop3A_332 = vector.shape_cast %parallel_loop3A_331 : vector<1x1x16xf32> to vector<16xf32>
        %parallel_loop3A_333 = vector.shape_cast %parallel_loop3A_327 : vector<16xf32> to vector<1x1x16xf32>
        tpu.vector_store %arg7[%parallel_loop3A_328, %parallel_loop3A_329, %parallel_loop3A_330], %parallel_loop3A_333 {strides = array<i32>} : memref<2x64x384xf32, #tpu.memory_space<vmem>>, vector<1x1x16xf32>,
        %parallel_loop3A_334 = arith.index_cast %rem3A_106 : i32 to index
        %parallel_loop3A_335 = arith.index_cast %parallel_loop3A_163 : i32 to index
        %parallel_loop3A_336 = arith.constant 160 : index
        %parallel_loop3A_337 = tpu.vector_load %arg6[%parallel_loop3A_334, %parallel_loop3A_335, %parallel_loop3A_336] {strides = array<i32>} : memref<2x64x384xf32, #tpu.memory_space<vmem>>, vector<1x1x16xf32>,
        %parallel_loop3A_338 = vector.shape_cast %parallel_loop3A_337 : vector<1x1x16xf32> to vector<16xf32>
        %parallel_loop3A_339 = arith.index_cast %rem3A_106 : i32 to index
        %parallel_loop3A_340 = arith.index_cast %parallel_loop3A_163 : i32 to index
        %parallel_loop3A_341 = arith.constant 160 : index
        %parallel_loop3A_342 = tpu.vector_load %arg7[%parallel_loop3A_339, %parallel_loop3A_340, %parallel_loop3A_341] {strides = array<i32>} : memref<2x64x384xf32, #tpu.memory_space<vmem>>, vector<1x1x16xf32>,
        %parallel_loop3A_343 = vector.shape_cast %parallel_loop3A_342 : vector<1x1x16xf32> to vector<16xf32>
        %parallel_loop3A_344 = arith.addf %parallel_loop3A_338, %parallel_loop3A_343 : vector<16xf32>
        %parallel_loop3A_345 = arith.index_cast %rem3A_106 : i32 to index
        %parallel_loop3A_346 = arith.index_cast %parallel_loop3A_163 : i32 to index
        %parallel_loop3A_347 = arith.constant 160 : index
        %parallel_loop3A_348 = tpu.vector_load %arg7[%parallel_loop3A_345, %parallel_loop3A_346, %parallel_loop3A_347] {strides = array<i32>} : memref<2x64x384xf32, #tpu.memory_space<vmem>>, vector<1x1x16xf32>,
        %parallel_loop3A_349 = vector.shape_cast %parallel_loop3A_348 : vector<1x1x16xf32> to vector<16xf32>
        %parallel_loop3A_350 = vector.shape_cast %parallel_loop3A_344 : vector<16xf32> to vector<1x1x16xf32>
        tpu.vector_store %arg7[%parallel_loop3A_345, %parallel_loop3A_346, %parallel_loop3A_347], %parallel_loop3A_350 {strides = array<i32>} : memref<2x64x384xf32, #tpu.memory_space<vmem>>, vector<1x1x16xf32>,
        %parallel_loop3A_351 = arith.index_cast %rem3A_106 : i32 to index
        %parallel_loop3A_352 = arith.index_cast %parallel_loop3A_163 : i32 to index
        %parallel_loop3A_353 = arith.constant 176 : index
        %parallel_loop3A_354 = tpu.vector_load %arg6[%parallel_loop3A_351, %parallel_loop3A_352, %parallel_loop3A_353] {strides = array<i32>} : memref<2x64x384xf32, #tpu.memory_space<vmem>>, vector<1x1x16xf32>,
        %parallel_loop3A_355 = vector.shape_cast %parallel_loop3A_354 : vector<1x1x16xf32> to vector<16xf32>
        %parallel_loop3A_356 = arith.index_cast %rem3A_106 : i32 to index
        %parallel_loop3A_357 = arith.index_cast %parallel_loop3A_163 : i32 to index
        %parallel_loop3A_358 = arith.constant 176 : index
        %parallel_loop3A_359 = tpu.vector_load %arg7[%parallel_loop3A_356, %parallel_loop3A_357, %parallel_loop3A_358] {strides = array<i32>} : memref<2x64x384xf32, #tpu.memory_space<vmem>>, vector<1x1x16xf32>,
        %parallel_loop3A_360 = vector.shape_cast %parallel_loop3A_359 : vector<1x1x16xf32> to vector<16xf32>
        %parallel_loop3A_361 = arith.addf %parallel_loop3A_355, %parallel_loop3A_360 : vector<16xf32>
        %parallel_loop3A_362 = arith.index_cast %rem3A_106 : i32 to index
        %parallel_loop3A_363 = arith.index_cast %parallel_loop3A_163 : i32 to index
        %parallel_loop3A_364 = arith.constant 176 : index
        %parallel_loop3A_365 = tpu.vector_load %arg7[%parallel_loop3A_362, %parallel_loop3A_363, %parallel_loop3A_364] {strides = array<i32>} : memref<2x64x384xf32, #tpu.memory_space<vmem>>, vector<1x1x16xf32>,
        %parallel_loop3A_366 = vector.shape_cast %parallel_loop3A_365 : vector<1x1x16xf32> to vector<16xf32>
        %parallel_loop3A_367 = vector.shape_cast %parallel_loop3A_361 : vector<16xf32> to vector<1x1x16xf32>
        tpu.vector_store %arg7[%parallel_loop3A_362, %parallel_loop3A_363, %parallel_loop3A_364], %parallel_loop3A_367 {strides = array<i32>} : memref<2x64x384xf32, #tpu.memory_space<vmem>>, vector<1x1x16xf32>,
        %parallel_loop3A_368 = arith.index_cast %rem3A_106 : i32 to index
        %parallel_loop3A_369 = arith.index_cast %parallel_loop3A_163 : i32 to index
        %parallel_loop3A_370 = arith.constant 192 : index
        %parallel_loop3A_371 = tpu.vector_load %arg6[%parallel_loop3A_368, %parallel_loop3A_369, %parallel_loop3A_370] {strides = array<i32>} : memref<2x64x384xf32, #tpu.memory_space<vmem>>, vector<1x1x16xf32>,
        %parallel_loop3A_372 = vector.shape_cast %parallel_loop3A_371 : vector<1x1x16xf32> to vector<16xf32>
        %parallel_loop3A_373 = arith.index_cast %rem3A_106 : i32 to index
        %parallel_loop3A_374 = arith.index_cast %parallel_loop3A_163 : i32 to index
        %parallel_loop3A_375 = arith.constant 192 : index
        %parallel_loop3A_376 = tpu.vector_load %arg7[%parallel_loop3A_373, %parallel_loop3A_374, %parallel_loop3A_375] {strides = array<i32>} : memref<2x64x384xf32, #tpu.memory_space<vmem>>, vector<1x1x16xf32>,
        %parallel_loop3A_377 = vector.shape_cast %parallel_loop3A_376 : vector<1x1x16xf32> to vector<16xf32>
        %parallel_loop3A_378 = arith.addf %parallel_loop3A_372, %parallel_loop3A_377 : vector<16xf32>
        %parallel_loop3A_379 = arith.index_cast %rem3A_106 : i32 to index
        %parallel_loop3A_380 = arith.index_cast %parallel_loop3A_163 : i32 to index
        %parallel_loop3A_381 = arith.constant 192 : index
        %parallel_loop3A_382 = tpu.vector_load %arg7[%parallel_loop3A_379, %parallel_loop3A_380, %parallel_loop3A_381] {strides = array<i32>} : memref<2x64x384xf32, #tpu.memory_space<vmem>>, vector<1x1x16xf32>,
        %parallel_loop3A_383 = vector.shape_cast %parallel_loop3A_382 : vector<1x1x16xf32> to vector<16xf32>
        %parallel_loop3A_384 = vector.shape_cast %parallel_loop3A_378 : vector<16xf32> to vector<1x1x16xf32>
        tpu.vector_store %arg7[%parallel_loop3A_379, %parallel_loop3A_380, %parallel_loop3A_381], %parallel_loop3A_384 {strides = array<i32>} : memref<2x64x384xf32, #tpu.memory_space<vmem>>, vector<1x1x16xf32>,
        %parallel_loop3A_385 = arith.index_cast %rem3A_106 : i32 to index
        %parallel_loop3A_386 = arith.index_cast %parallel_loop3A_163 : i32 to index
        %parallel_loop3A_387 = arith.constant 208 : index
        %parallel_loop3A_388 = tpu.vector_load %arg6[%parallel_loop3A_385, %parallel_loop3A_386, %parallel_loop3A_387] {strides = array<i32>} : memref<2x64x384xf32, #tpu.memory_space<vmem>>, vector<1x1x16xf32>,
        %parallel_loop3A_389 = vector.shape_cast %parallel_loop3A_388 : vector<1x1x16xf32> to vector<16xf32>
        %parallel_loop3A_390 = arith.index_cast %rem3A_106 : i32 to index
        %parallel_loop3A_391 = arith.index_cast %parallel_loop3A_163 : i32 to index
        %parallel_loop3A_392 = arith.constant 208 : index
        %parallel_loop3A_393 = tpu.vector_load %arg7[%parallel_loop3A_390, %parallel_loop3A_391, %parallel_loop3A_392] {strides = array<i32>} : memref<2x64x384xf32, #tpu.memory_space<vmem>>, vector<1x1x16xf32>,
        %parallel_loop3A_394 = vector.shape_cast %parallel_loop3A_393 : vector<1x1x16xf32> to vector<16xf32>
        %parallel_loop3A_395 = arith.addf %parallel_loop3A_389, %parallel_loop3A_394 : vector<16xf32>
        %parallel_loop3A_396 = arith.index_cast %rem3A_106 : i32 to index
        %parallel_loop3A_397 = arith.index_cast %parallel_loop3A_163 : i32 to index
        %parallel_loop3A_398 = arith.constant 208 : index
        %parallel_loop3A_399 = tpu.vector_load %arg7[%parallel_loop3A_396, %parallel_loop3A_397, %parallel_loop3A_398] {strides = array<i32>} : memref<2x64x384xf32, #tpu.memory_space<vmem>>, vector<1x1x16xf32>,
        %parallel_loop3A_400 = vector.shape_cast %parallel_loop3A_399 : vector<1x1x16xf32> to vector<16xf32>
        %parallel_loop3A_401 = vector.shape_cast %parallel_loop3A_395 : vector<16xf32> to vector<1x1x16xf32>
        tpu.vector_store %arg7[%parallel_loop3A_396, %parallel_loop3A_397, %parallel_loop3A_398], %parallel_loop3A_401 {strides = array<i32>} : memref<2x64x384xf32, #tpu.memory_space<vmem>>, vector<1x1x16xf32>,
        %parallel_loop3A_402 = arith.index_cast %rem3A_106 : i32 to index
        %parallel_loop3A_403 = arith.index_cast %parallel_loop3A_163 : i32 to index
        %parallel_loop3A_404 = arith.constant 224 : index
        %parallel_loop3A_405 = tpu.vector_load %arg6[%parallel_loop3A_402, %parallel_loop3A_403, %parallel_loop3A_404] {strides = array<i32>} : memref<2x64x384xf32, #tpu.memory_space<vmem>>, vector<1x1x16xf32>,
        %parallel_loop3A_406 = vector.shape_cast %parallel_loop3A_405 : vector<1x1x16xf32> to vector<16xf32>
        %parallel_loop3A_407 = arith.index_cast %rem3A_106 : i32 to index
        %parallel_loop3A_408 = arith.index_cast %parallel_loop3A_163 : i32 to index
        %parallel_loop3A_409 = arith.constant 224 : index
        %parallel_loop3A_410 = tpu.vector_load %arg7[%parallel_loop3A_407, %parallel_loop3A_408, %parallel_loop3A_409] {strides = array<i32>} : memref<2x64x384xf32, #tpu.memory_space<vmem>>, vector<1x1x16xf32>,
        %parallel_loop3A_411 = vector.shape_cast %parallel_loop3A_410 : vector<1x1x16xf32> to vector<16xf32>
        %parallel_loop3A_412 = arith.addf %parallel_loop3A_406, %parallel_loop3A_411 : vector<16xf32>
        %parallel_loop3A_413 = arith.index_cast %rem3A_106 : i32 to index
        %parallel_loop3A_414 = arith.index_cast %parallel_loop3A_163 : i32 to index
        %parallel_loop3A_415 = arith.constant 224 : index
        %parallel_loop3A_416 = tpu.vector_load %arg7[%parallel_loop3A_413, %parallel_loop3A_414, %parallel_loop3A_415] {strides = array<i32>} : memref<2x64x384xf32, #tpu.memory_space<vmem>>, vector<1x1x16xf32>,
        %parallel_loop3A_417 = vector.shape_cast %parallel_loop3A_416 : vector<1x1x16xf32> to vector<16xf32>
        %parallel_loop3A_418 = vector.shape_cast %parallel_loop3A_412 : vector<16xf32> to vector<1x1x16xf32>
        tpu.vector_store %arg7[%parallel_loop3A_413, %parallel_loop3A_414, %parallel_loop3A_415], %parallel_loop3A_418 {strides = array<i32>} : memref<2x64x384xf32, #tpu.memory_space<vmem>>, vector<1x1x16xf32>,
        %parallel_loop3A_419 = arith.index_cast %rem3A_106 : i32 to index
        %parallel_loop3A_420 = arith.index_cast %parallel_loop3A_163 : i32 to index
        %parallel_loop3A_421 = arith.constant 240 : index
        %parallel_loop3A_422 = tpu.vector_load %arg6[%parallel_loop3A_419, %parallel_loop3A_420, %parallel_loop3A_421] {strides = array<i32>} : memref<2x64x384xf32, #tpu.memory_space<vmem>>, vector<1x1x16xf32>,
        %parallel_loop3A_423 = vector.shape_cast %parallel_loop3A_422 : vector<1x1x16xf32> to vector<16xf32>
        %parallel_loop3A_424 = arith.index_cast %rem3A_106 : i32 to index
        %parallel_loop3A_425 = arith.index_cast %parallel_loop3A_163 : i32 to index
        %parallel_loop3A_426 = arith.constant 240 : index
        %parallel_loop3A_427 = tpu.vector_load %arg7[%parallel_loop3A_424, %parallel_loop3A_425, %parallel_loop3A_426] {strides = array<i32>} : memref<2x64x384xf32, #tpu.memory_space<vmem>>, vector<1x1x16xf32>,
        %parallel_loop3A_428 = vector.shape_cast %parallel_loop3A_427 : vector<1x1x16xf32> to vector<16xf32>
        %parallel_loop3A_429 = arith.addf %parallel_loop3A_423, %parallel_loop3A_428 : vector<16xf32>
        %parallel_loop3A_430 = arith.index_cast %rem3A_106 : i32 to index
        %parallel_loop3A_431 = arith.index_cast %parallel_loop3A_163 : i32 to index
        %parallel_loop3A_432 = arith.constant 240 : index
        %parallel_loop3A_433 = tpu.vector_load %arg7[%parallel_loop3A_430, %parallel_loop3A_431, %parallel_loop3A_432] {strides = array<i32>} : memref<2x64x384xf32, #tpu.memory_space<vmem>>, vector<1x1x16xf32>,
        %parallel_loop3A_434 = vector.shape_cast %parallel_loop3A_433 : vector<1x1x16xf32> to vector<16xf32>
        %parallel_loop3A_435 = vector.shape_cast %parallel_loop3A_429 : vector<16xf32> to vector<1x1x16xf32>
        tpu.vector_store %arg7[%parallel_loop3A_430, %parallel_loop3A_431, %parallel_loop3A_432], %parallel_loop3A_435 {strides = array<i32>} : memref<2x64x384xf32, #tpu.memory_space<vmem>>, vector<1x1x16xf32>,
        %parallel_loop3A_436 = arith.index_cast %rem3A_106 : i32 to index
        %parallel_loop3A_437 = arith.index_cast %parallel_loop3A_163 : i32 to index
        %parallel_loop3A_438 = arith.constant 256 : index
        %parallel_loop3A_439 = tpu.vector_load %arg6[%parallel_loop3A_436, %parallel_loop3A_437, %parallel_loop3A_438] {strides = array<i32>} : memref<2x64x384xf32, #tpu.memory_space<vmem>>, vector<1x1x16xf32>,
        %parallel_loop3A_440 = vector.shape_cast %parallel_loop3A_439 : vector<1x1x16xf32> to vector<16xf32>
        %parallel_loop3A_441 = arith.index_cast %rem3A_106 : i32 to index
        %parallel_loop3A_442 = arith.index_cast %parallel_loop3A_163 : i32 to index
        %parallel_loop3A_443 = arith.constant 256 : index
        %parallel_loop3A_444 = tpu.vector_load %arg7[%parallel_loop3A_441, %parallel_loop3A_442, %parallel_loop3A_443] {strides = array<i32>} : memref<2x64x384xf32, #tpu.memory_space<vmem>>, vector<1x1x16xf32>,
        %parallel_loop3A_445 = vector.shape_cast %parallel_loop3A_444 : vector<1x1x16xf32> to vector<16xf32>
        %parallel_loop3A_446 = arith.addf %parallel_loop3A_440, %parallel_loop3A_445 : vector<16xf32>
        %parallel_loop3A_447 = arith.index_cast %rem3A_106 : i32 to index
        %parallel_loop3A_448 = arith.index_cast %parallel_loop3A_163 : i32 to index
        %parallel_loop3A_449 = arith.constant 256 : index
        %parallel_loop3A_450 = tpu.vector_load %arg7[%parallel_loop3A_447, %parallel_loop3A_448, %parallel_loop3A_449] {strides = array<i32>} : memref<2x64x384xf32, #tpu.memory_space<vmem>>, vector<1x1x16xf32>,
        %parallel_loop3A_451 = vector.shape_cast %parallel_loop3A_450 : vector<1x1x16xf32> to vector<16xf32>
        %parallel_loop3A_452 = vector.shape_cast %parallel_loop3A_446 : vector<16xf32> to vector<1x1x16xf32>
        tpu.vector_store %arg7[%parallel_loop3A_447, %parallel_loop3A_448, %parallel_loop3A_449], %parallel_loop3A_452 {strides = array<i32>} : memref<2x64x384xf32, #tpu.memory_space<vmem>>, vector<1x1x16xf32>,
        %parallel_loop3A_453 = arith.index_cast %rem3A_106 : i32 to index
        %parallel_loop3A_454 = arith.index_cast %parallel_loop3A_163 : i32 to index
        %parallel_loop3A_455 = arith.constant 272 : index
        %parallel_loop3A_456 = tpu.vector_load %arg6[%parallel_loop3A_453, %parallel_loop3A_454, %parallel_loop3A_455] {strides = array<i32>} : memref<2x64x384xf32, #tpu.memory_space<vmem>>, vector<1x1x16xf32>,
        %parallel_loop3A_457 = vector.shape_cast %parallel_loop3A_456 : vector<1x1x16xf32> to vector<16xf32>
        %parallel_loop3A_458 = arith.index_cast %rem3A_106 : i32 to index
        %parallel_loop3A_459 = arith.index_cast %parallel_loop3A_163 : i32 to index
        %parallel_loop3A_460 = arith.constant 272 : index
        %parallel_loop3A_461 = tpu.vector_load %arg7[%parallel_loop3A_458, %parallel_loop3A_459, %parallel_loop3A_460] {strides = array<i32>} : memref<2x64x384xf32, #tpu.memory_space<vmem>>, vector<1x1x16xf32>,
        %parallel_loop3A_462 = vector.shape_cast %parallel_loop3A_461 : vector<1x1x16xf32> to vector<16xf32>
        %parallel_loop3A_463 = arith.addf %parallel_loop3A_457, %parallel_loop3A_462 : vector<16xf32>
        %parallel_loop3A_464 = arith.index_cast %rem3A_106 : i32 to index
        %parallel_loop3A_465 = arith.index_cast %parallel_loop3A_163 : i32 to index
        %parallel_loop3A_466 = arith.constant 272 : index
        %parallel_loop3A_467 = tpu.vector_load %arg7[%parallel_loop3A_464, %parallel_loop3A_465, %parallel_loop3A_466] {strides = array<i32>} : memref<2x64x384xf32, #tpu.memory_space<vmem>>, vector<1x1x16xf32>,
        %parallel_loop3A_468 = vector.shape_cast %parallel_loop3A_467 : vector<1x1x16xf32> to vector<16xf32>
        %parallel_loop3A_469 = vector.shape_cast %parallel_loop3A_463 : vector<16xf32> to vector<1x1x16xf32>
        tpu.vector_store %arg7[%parallel_loop3A_464, %parallel_loop3A_465, %parallel_loop3A_466], %parallel_loop3A_469 {strides = array<i32>} : memref<2x64x384xf32, #tpu.memory_space<vmem>>, vector<1x1x16xf32>,
        %parallel_loop3A_470 = arith.index_cast %rem3A_106 : i32 to index
        %parallel_loop3A_471 = arith.index_cast %parallel_loop3A_163 : i32 to index
        %parallel_loop3A_472 = arith.constant 288 : index
        %parallel_loop3A_473 = tpu.vector_load %arg6[%parallel_loop3A_470, %parallel_loop3A_471, %parallel_loop3A_472] {strides = array<i32>} : memref<2x64x384xf32, #tpu.memory_space<vmem>>, vector<1x1x16xf32>,
        %parallel_loop3A_474 = vector.shape_cast %parallel_loop3A_473 : vector<1x1x16xf32> to vector<16xf32>
        %parallel_loop3A_475 = arith.index_cast %rem3A_106 : i32 to index
        %parallel_loop3A_476 = arith.index_cast %parallel_loop3A_163 : i32 to index
        %parallel_loop3A_477 = arith.constant 288 : index
        %parallel_loop3A_478 = tpu.vector_load %arg7[%parallel_loop3A_475, %parallel_loop3A_476, %parallel_loop3A_477] {strides = array<i32>} : memref<2x64x384xf32, #tpu.memory_space<vmem>>, vector<1x1x16xf32>,
        %parallel_loop3A_479 = vector.shape_cast %parallel_loop3A_478 : vector<1x1x16xf32> to vector<16xf32>
        %parallel_loop3A_480 = arith.addf %parallel_loop3A_474, %parallel_loop3A_479 : vector<16xf32>
        %parallel_loop3A_481 = arith.index_cast %rem3A_106 : i32 to index
        %parallel_loop3A_482 = arith.index_cast %parallel_loop3A_163 : i32 to index
        %parallel_loop3A_483 = arith.constant 288 : index
        %parallel_loop3A_484 = tpu.vector_load %arg7[%parallel_loop3A_481, %parallel_loop3A_482, %parallel_loop3A_483] {strides = array<i32>} : memref<2x64x384xf32, #tpu.memory_space<vmem>>, vector<1x1x16xf32>,
        %parallel_loop3A_485 = vector.shape_cast %parallel_loop3A_484 : vector<1x1x16xf32> to vector<16xf32>
        %parallel_loop3A_486 = vector.shape_cast %parallel_loop3A_480 : vector<16xf32> to vector<1x1x16xf32>
        tpu.vector_store %arg7[%parallel_loop3A_481, %parallel_loop3A_482, %parallel_loop3A_483], %parallel_loop3A_486 {strides = array<i32>} : memref<2x64x384xf32, #tpu.memory_space<vmem>>, vector<1x1x16xf32>,
        %parallel_loop3A_487 = arith.index_cast %rem3A_106 : i32 to index
        %parallel_loop3A_488 = arith.index_cast %parallel_loop3A_163 : i32 to index
        %parallel_loop3A_489 = arith.constant 304 : index
        %parallel_loop3A_490 = tpu.vector_load %arg6[%parallel_loop3A_487, %parallel_loop3A_488, %parallel_loop3A_489] {strides = array<i32>} : memref<2x64x384xf32, #tpu.memory_space<vmem>>, vector<1x1x16xf32>,
        %parallel_loop3A_491 = vector.shape_cast %parallel_loop3A_490 : vector<1x1x16xf32> to vector<16xf32>
        %parallel_loop3A_492 = arith.index_cast %rem3A_106 : i32 to index
        %parallel_loop3A_493 = arith.index_cast %parallel_loop3A_163 : i32 to index
        %parallel_loop3A_494 = arith.constant 304 : index
        %parallel_loop3A_495 = tpu.vector_load %arg7[%parallel_loop3A_492, %parallel_loop3A_493, %parallel_loop3A_494] {strides = array<i32>} : memref<2x64x384xf32, #tpu.memory_space<vmem>>, vector<1x1x16xf32>,
        %parallel_loop3A_496 = vector.shape_cast %parallel_loop3A_495 : vector<1x1x16xf32> to vector<16xf32>
        %parallel_loop3A_497 = arith.addf %parallel_loop3A_491, %parallel_loop3A_496 : vector<16xf32>
        %parallel_loop3A_498 = arith.index_cast %rem3A_106 : i32 to index
        %parallel_loop3A_499 = arith.index_cast %parallel_loop3A_163 : i32 to index
        %parallel_loop3A_500 = arith.constant 304 : index
        %parallel_loop3A_501 = tpu.vector_load %arg7[%parallel_loop3A_498, %parallel_loop3A_499, %parallel_loop3A_500] {strides = array<i32>} : memref<2x64x384xf32, #tpu.memory_space<vmem>>, vector<1x1x16xf32>,
        %parallel_loop3A_502 = vector.shape_cast %parallel_loop3A_501 : vector<1x1x16xf32> to vector<16xf32>
        %parallel_loop3A_503 = vector.shape_cast %parallel_loop3A_497 : vector<16xf32> to vector<1x1x16xf32>
        tpu.vector_store %arg7[%parallel_loop3A_498, %parallel_loop3A_499, %parallel_loop3A_500], %parallel_loop3A_503 {strides = array<i32>} : memref<2x64x384xf32, #tpu.memory_space<vmem>>, vector<1x1x16xf32>,
        %parallel_loop3A_504 = arith.index_cast %rem3A_106 : i32 to index
        %parallel_loop3A_505 = arith.index_cast %parallel_loop3A_163 : i32 to index
        %parallel_loop3A_506 = arith.constant 320 : index
        %parallel_loop3A_507 = tpu.vector_load %arg6[%parallel_loop3A_504, %parallel_loop3A_505, %parallel_loop3A_506] {strides = array<i32>} : memref<2x64x384xf32, #tpu.memory_space<vmem>>, vector<1x1x16xf32>,
        %parallel_loop3A_508 = vector.shape_cast %parallel_loop3A_507 : vector<1x1x16xf32> to vector<16xf32>
        %parallel_loop3A_509 = arith.index_cast %rem3A_106 : i32 to index
        %parallel_loop3A_510 = arith.index_cast %parallel_loop3A_163 : i32 to index
        %parallel_loop3A_511 = arith.constant 320 : index
        %parallel_loop3A_512 = tpu.vector_load %arg7[%parallel_loop3A_509, %parallel_loop3A_510, %parallel_loop3A_511] {strides = array<i32>} : memref<2x64x384xf32, #tpu.memory_space<vmem>>, vector<1x1x16xf32>,
        %parallel_loop3A_513 = vector.shape_cast %parallel_loop3A_512 : vector<1x1x16xf32> to vector<16xf32>
        %parallel_loop3A_514 = arith.addf %parallel_loop3A_508, %parallel_loop3A_513 : vector<16xf32>
        %parallel_loop3A_515 = arith.index_cast %rem3A_106 : i32 to index
        %parallel_loop3A_516 = arith.index_cast %parallel_loop3A_163 : i32 to index
        %parallel_loop3A_517 = arith.constant 320 : index
        %parallel_loop3A_518 = tpu.vector_load %arg7[%parallel_loop3A_515, %parallel_loop3A_516, %parallel_loop3A_517] {strides = array<i32>} : memref<2x64x384xf32, #tpu.memory_space<vmem>>, vector<1x1x16xf32>,
        %parallel_loop3A_519 = vector.shape_cast %parallel_loop3A_518 : vector<1x1x16xf32> to vector<16xf32>
        %parallel_loop3A_520 = vector.shape_cast %parallel_loop3A_514 : vector<16xf32> to vector<1x1x16xf32>
        tpu.vector_store %arg7[%parallel_loop3A_515, %parallel_loop3A_516, %parallel_loop3A_517], %parallel_loop3A_520 {strides = array<i32>} : memref<2x64x384xf32, #tpu.memory_space<vmem>>, vector<1x1x16xf32>,
        %parallel_loop3A_521 = arith.index_cast %rem3A_106 : i32 to index
        %parallel_loop3A_522 = arith.index_cast %parallel_loop3A_163 : i32 to index
        %parallel_loop3A_523 = arith.constant 336 : index
        %parallel_loop3A_524 = tpu.vector_load %arg6[%parallel_loop3A_521, %parallel_loop3A_522, %parallel_loop3A_523] {strides = array<i32>} : memref<2x64x384xf32, #tpu.memory_space<vmem>>, vector<1x1x16xf32>,
        %parallel_loop3A_525 = vector.shape_cast %parallel_loop3A_524 : vector<1x1x16xf32> to vector<16xf32>
        %parallel_loop3A_526 = arith.index_cast %rem3A_106 : i32 to index
        %parallel_loop3A_527 = arith.index_cast %parallel_loop3A_163 : i32 to index
        %parallel_loop3A_528 = arith.constant 336 : index
        %parallel_loop3A_529 = tpu.vector_load %arg7[%parallel_loop3A_526, %parallel_loop3A_527, %parallel_loop3A_528] {strides = array<i32>} : memref<2x64x384xf32, #tpu.memory_space<vmem>>, vector<1x1x16xf32>,
        %parallel_loop3A_530 = vector.shape_cast %parallel_loop3A_529 : vector<1x1x16xf32> to vector<16xf32>
        %parallel_loop3A_531 = arith.addf %parallel_loop3A_525, %parallel_loop3A_530 : vector<16xf32>
        %parallel_loop3A_532 = arith.index_cast %rem3A_106 : i32 to index
        %parallel_loop3A_533 = arith.index_cast %parallel_loop3A_163 : i32 to index
        %parallel_loop3A_534 = arith.constant 336 : index
        %parallel_loop3A_535 = tpu.vector_load %arg7[%parallel_loop3A_532, %parallel_loop3A_533, %parallel_loop3A_534] {strides = array<i32>} : memref<2x64x384xf32, #tpu.memory_space<vmem>>, vector<1x1x16xf32>,
        %parallel_loop3A_536 = vector.shape_cast %parallel_loop3A_535 : vector<1x1x16xf32> to vector<16xf32>
        %parallel_loop3A_537 = vector.shape_cast %parallel_loop3A_531 : vector<16xf32> to vector<1x1x16xf32>
        tpu.vector_store %arg7[%parallel_loop3A_532, %parallel_loop3A_533, %parallel_loop3A_534], %parallel_loop3A_537 {strides = array<i32>} : memref<2x64x384xf32, #tpu.memory_space<vmem>>, vector<1x1x16xf32>,
        %parallel_loop3A_538 = arith.index_cast %rem3A_106 : i32 to index
        %parallel_loop3A_539 = arith.index_cast %parallel_loop3A_163 : i32 to index
        %parallel_loop3A_540 = arith.constant 352 : index
        %parallel_loop3A_541 = tpu.vector_load %arg6[%parallel_loop3A_538, %parallel_loop3A_539, %parallel_loop3A_540] {strides = array<i32>} : memref<2x64x384xf32, #tpu.memory_space<vmem>>, vector<1x1x16xf32>,
        %parallel_loop3A_542 = vector.shape_cast %parallel_loop3A_541 : vector<1x1x16xf32> to vector<16xf32>
        %parallel_loop3A_543 = arith.index_cast %rem3A_106 : i32 to index
        %parallel_loop3A_544 = arith.index_cast %parallel_loop3A_163 : i32 to index
        %parallel_loop3A_545 = arith.constant 352 : index
        %parallel_loop3A_546 = tpu.vector_load %arg7[%parallel_loop3A_543, %parallel_loop3A_544, %parallel_loop3A_545] {strides = array<i32>} : memref<2x64x384xf32, #tpu.memory_space<vmem>>, vector<1x1x16xf32>,
        %parallel_loop3A_547 = vector.shape_cast %parallel_loop3A_546 : vector<1x1x16xf32> to vector<16xf32>
        %parallel_loop3A_548 = arith.addf %parallel_loop3A_542, %parallel_loop3A_547 : vector<16xf32>
        %parallel_loop3A_549 = arith.index_cast %rem3A_106 : i32 to index
        %parallel_loop3A_550 = arith.index_cast %parallel_loop3A_163 : i32 to index
        %parallel_loop3A_551 = arith.constant 352 : index
        %parallel_loop3A_552 = tpu.vector_load %arg7[%parallel_loop3A_549, %parallel_loop3A_550, %parallel_loop3A_551] {strides = array<i32>} : memref<2x64x384xf32, #tpu.memory_space<vmem>>, vector<1x1x16xf32>,
        %parallel_loop3A_553 = vector.shape_cast %parallel_loop3A_552 : vector<1x1x16xf32> to vector<16xf32>
        %parallel_loop3A_554 = vector.shape_cast %parallel_loop3A_548 : vector<16xf32> to vector<1x1x16xf32>
        tpu.vector_store %arg7[%parallel_loop3A_549, %parallel_loop3A_550, %parallel_loop3A_551], %parallel_loop3A_554 {strides = array<i32>} : memref<2x64x384xf32, #tpu.memory_space<vmem>>, vector<1x1x16xf32>,
        %parallel_loop3A_555 = arith.index_cast %rem3A_106 : i32 to index
        %parallel_loop3A_556 = arith.index_cast %parallel_loop3A_163 : i32 to index
        %parallel_loop3A_557 = arith.constant 368 : index
        %parallel_loop3A_558 = tpu.vector_load %arg6[%parallel_loop3A_555, %parallel_loop3A_556, %parallel_loop3A_557] {strides = array<i32>} : memref<2x64x384xf32, #tpu.memory_space<vmem>>, vector<1x1x16xf32>,
        %parallel_loop3A_559 = vector.shape_cast %parallel_loop3A_558 : vector<1x1x16xf32> to vector<16xf32>
        %parallel_loop3A_560 = arith.index_cast %rem3A_106 : i32 to index
        %parallel_loop3A_561 = arith.index_cast %parallel_loop3A_163 : i32 to index
        %parallel_loop3A_562 = arith.constant 368 : index
        %parallel_loop3A_563 = tpu.vector_load %arg7[%parallel_loop3A_560, %parallel_loop3A_561, %parallel_loop3A_562] {strides = array<i32>} : memref<2x64x384xf32, #tpu.memory_space<vmem>>, vector<1x1x16xf32>,
        %parallel_loop3A_564 = vector.shape_cast %parallel_loop3A_563 : vector<1x1x16xf32> to vector<16xf32>
        %parallel_loop3A_565 = arith.addf %parallel_loop3A_559, %parallel_loop3A_564 : vector<16xf32>
        %parallel_loop3A_566 = arith.index_cast %rem3A_106 : i32 to index
        %parallel_loop3A_567 = arith.index_cast %parallel_loop3A_163 : i32 to index
        %parallel_loop3A_568 = arith.constant 368 : index
        %parallel_loop3A_569 = tpu.vector_load %arg7[%parallel_loop3A_566, %parallel_loop3A_567, %parallel_loop3A_568] {strides = array<i32>} : memref<2x64x384xf32, #tpu.memory_space<vmem>>, vector<1x1x16xf32>,
        %parallel_loop3A_570 = vector.shape_cast %parallel_loop3A_569 : vector<1x1x16xf32> to vector<16xf32>
        %parallel_loop3A_571 = vector.shape_cast %parallel_loop3A_565 : vector<16xf32> to vector<1x1x16xf32>
        tpu.vector_store %arg7[%parallel_loop3A_566, %parallel_loop3A_567, %parallel_loop3A_568], %parallel_loop3A_571 {strides = array<i32>} : memref<2x64x384xf32, #tpu.memory_space<vmem>>, vector<1x1x16xf32>,
      } {sc.loop_unroll_factor = 2 : i64, sc.parallel_access}
      %mul3A_145 = arith.constant 64 : i32
      %mul3A_146 = arith.muli %scan3A_104, %mul3A_145 : i32
      %add3A_147 = arith.addi %mul3A_2, %mul3A_146 : i32
      %dma_start3A_148 = arith.constant 0 : i32
      %dma_start3A_149 = arith.constant 0 : i32
      %dma_start3A_150 = tpu.memref_slice %arg7[%rem3A_106, %dma_start3A_148, %dma_start3A_149] : memref<2x64x384xf32, #tpu.memory_space<vmem>> -> memref<1x64x384xf32, #tpu.memory_space<vmem>>
      %dma_start3A_151 = tpu.memref_squeeze %dma_start3A_150 : memref<1x64x384xf32, #tpu.memory_space<vmem>> -> memref<64x384xf32, #tpu.memory_space<vmem>>
      %dma_start3A_152 = arith.constant 0 : i32
      %dma_start3A_153 = tpu.memref_slice %arg5[%add3A_147, %dma_start3A_152] : memref<65536x384xf32, #tpu.memory_space<hbm>> -> memref<64x384xf32, #tpu.memory_space<hbm>>
      %dma_start3A_154 = tpu.memref_slice %arg11[%rem3A_106] : memref<2x!tpu.dma_semaphore, #tpu.memory_space<semaphore_mem>> -> memref<1x!tpu.dma_semaphore, #tpu.memory_space<semaphore_mem>>
      %dma_start3A_155 = tpu.memref_squeeze %dma_start3A_154 : memref<1x!tpu.dma_semaphore, #tpu.memory_space<semaphore_mem>> -> memref<!tpu.dma_semaphore, #tpu.memory_space<semaphore_mem>>
      %dma_start3A_156 = arith.constant 0 : i32
      %dma_start3A_157 = tpu.memref_slice %arg5[%add3A_147, %dma_start3A_156] : memref<65536x384xf32, #tpu.memory_space<hbm>> -> memref<64x384xf32, #tpu.memory_space<hbm>>
      %dma_start3A_158 = arith.constant 0 : i32
      %dma_start3A_159 = arith.constant 0 : i32
      %dma_start3A_160 = tpu.memref_slice %arg7[%rem3A_106, %dma_start3A_158, %dma_start3A_159] : memref<2x64x384xf32, #tpu.memory_space<vmem>> -> memref<1x64x384xf32, #tpu.memory_space<vmem>>
      %dma_start3A_161 = tpu.memref_squeeze %dma_start3A_160 : memref<1x64x384xf32, #tpu.memory_space<vmem>> -> memref<64x384xf32, #tpu.memory_space<vmem>>
      tpu.enqueue_dma source(%dma_start3A_161 : memref<64x384xf32, #tpu.memory_space<vmem>>) target(%dma_start3A_157 : memref<64x384xf32, #tpu.memory_space<hbm>>) target_semaphore(%dma_start3A_155 : memref<!tpu.dma_semaphore, #tpu.memory_space<semaphore_mem>>)
      %scan3A_162 = arith.constant 0 : i32
      scf.yield %scan3A_162 : i32
    }
    %scan3A_67 = arith.constant 32 : i32
    %dma_wait3A_68 = arith.constant 0 : i32
    %dma_wait3A_69 = arith.constant 0 : i32
    %dma_wait3A_70 = arith.constant 0 : i32
    %dma_wait3A_71 = arith.constant 0 : i32
    %dma_wait3A_72 = tpu.memref_slice %arg7[%dma_wait3A_68, %dma_wait3A_70, %dma_wait3A_71] : memref<2x64x384xf32, #tpu.memory_space<vmem>> -> memref<1x64x384xf32, #tpu.memory_space<vmem>>
    %dma_wait3A_73 = tpu.memref_squeeze %dma_wait3A_72 : memref<1x64x384xf32, #tpu.memory_space<vmem>> -> memref<64x384xf32, #tpu.memory_space<vmem>>
    %dma_wait3A_74 = arith.constant 0 : i32
    %dma_wait3A_75 = arith.constant 0 : i32
    %dma_wait3A_76 = tpu.memref_slice %arg5[%dma_wait3A_74, %dma_wait3A_75] : memref<65536x384xf32, #tpu.memory_space<hbm>> -> memref<64x384xf32, #tpu.memory_space<hbm>>
    %dma_wait3A_77 = tpu.memref_slice %arg11[%dma_wait3A_69] : memref<2x!tpu.dma_semaphore, #tpu.memory_space<semaphore_mem>> -> memref<1x!tpu.dma_semaphore, #tpu.memory_space<semaphore_mem>>
    %dma_wait3A_78 = tpu.memref_squeeze %dma_wait3A_77 : memref<1x!tpu.dma_semaphore, #tpu.memory_space<semaphore_mem>> -> memref<!tpu.dma_semaphore, #tpu.memory_space<semaphore_mem>>
    %dma_wait3A_79 = arith.constant 0 : i32
    %dma_wait3A_80 = arith.constant 0 : i32
    %dma_wait3A_81 = tpu.memref_slice %arg5[%dma_wait3A_79, %dma_wait3A_80] : memref<65536x384xf32, #tpu.memory_space<hbm>> -> memref<64x384xf32, #tpu.memory_space<hbm>>
    %dma_wait3A_82 = arith.constant 0 : i32
    %dma_wait3A_83 = arith.constant 0 : i32
    %dma_wait3A_84 = tpu.memref_slice %arg7[%dma_wait3A_68, %dma_wait3A_82, %dma_wait3A_83] : memref<2x64x384xf32, #tpu.memory_space<vmem>> -> memref<1x64x384xf32, #tpu.memory_space<vmem>>
    %dma_wait3A_85 = tpu.memref_squeeze %dma_wait3A_84 : memref<1x64x384xf32, #tpu.memory_space<vmem>> -> memref<64x384xf32, #tpu.memory_space<vmem>>
    tpu.wait_dma2 semaphore(%dma_wait3A_78 : memref<!tpu.dma_semaphore, #tpu.memory_space<semaphore_mem>>) src(%dma_wait3A_85 : memref<64x384xf32, #tpu.memory_space<vmem>>) dst(%dma_wait3A_81 : memref<64x384xf32, #tpu.memory_space<hbm>>)
    %dma_wait3A_86 = arith.constant 1 : i32
    %dma_wait3A_87 = arith.constant 1 : i32
    %dma_wait3A_88 = arith.constant 0 : i32
    %dma_wait3A_89 = arith.constant 0 : i32
    %dma_wait3A_90 = tpu.memref_slice %arg7[%dma_wait3A_86, %dma_wait3A_88, %dma_wait3A_89] : memref<2x64x384xf32, #tpu.memory_space<vmem>> -> memref<1x64x384xf32, #tpu.memory_space<vmem>>
    %dma_wait3A_91 = tpu.memref_squeeze %dma_wait3A_90 : memref<1x64x384xf32, #tpu.memory_space<vmem>> -> memref<64x384xf32, #tpu.memory_space<vmem>>
    %dma_wait3A_92 = arith.constant 0 : i32
    %dma_wait3A_93 = arith.constant 0 : i32
    %dma_wait3A_94 = tpu.memref_slice %arg5[%dma_wait3A_92, %dma_wait3A_93] : memref<65536x384xf32, #tpu.memory_space<hbm>> -> memref<64x384xf32, #tpu.memory_space<hbm>>
    %dma_wait3A_95 = tpu.memref_slice %arg11[%dma_wait3A_87] : memref<2x!tpu.dma_semaphore, #tpu.memory_space<semaphore_mem>> -> memref<1x!tpu.dma_semaphore, #tpu.memory_space<semaphore_mem>>
    %dma_wait3A_96 = tpu.memref_squeeze %dma_wait3A_95 : memref<1x!tpu.dma_semaphore, #tpu.memory_space<semaphore_mem>> -> memref<!tpu.dma_semaphore, #tpu.memory_space<semaphore_mem>>
    %dma_wait3A_97 = arith.constant 0 : i32
    %dma_wait3A_98 = arith.constant 0 : i32
    %dma_wait3A_99 = tpu.memref_slice %arg5[%dma_wait3A_97, %dma_wait3A_98] : memref<65536x384xf32, #tpu.memory_space<hbm>> -> memref<64x384xf32, #tpu.memory_space<hbm>>
    %dma_wait3A_100 = arith.constant 0 : i32
    %dma_wait3A_101 = arith.constant 0 : i32
    %dma_wait3A_102 = tpu.memref_slice %arg7[%dma_wait3A_86, %dma_wait3A_100, %dma_wait3A_101] : memref<2x64x384xf32, #tpu.memory_space<vmem>> -> memref<1x64x384xf32, #tpu.memory_space<vmem>>
    %dma_wait3A_103 = tpu.memref_squeeze %dma_wait3A_102 : memref<1x64x384xf32, #tpu.memory_space<vmem>> -> memref<64x384xf32, #tpu.memory_space<vmem>>
    tpu.wait_dma2 semaphore(%dma_wait3A_96 : memref<!tpu.dma_semaphore, #tpu.memory_space<semaphore_mem>>) src(%dma_wait3A_103 : memref<64x384xf32, #tpu.memory_space<vmem>>) dst(%dma_wait3A_99 : memref<64x384xf32, #tpu.memory_space<hbm>>)
    return
  }
}

</mosaic_0001>

<sc_bundles>
// kernel: kernel.3.cloned.1.call-start
scs
__scs_entry_jumppad:
0x0: {  	(pc) =	sbr.rel $0x88, $3  }
0x1: {  	(tag) =	ssettag $0x0;
	lr =	simm.s32 $0x1  }
0x2: {  	[smem:$0x3F9E] =	sst lr;
	_ =	strace $0xD0000000  }
0x3: {  	_ = 	snop  }
0x4: {  	_ = 	snop  }
0x5: {  	_ = 	snop  }
0x6: {  	_ = 	snop  }
0x7: {  	_ = 	snop  }
__scs_overlays_trampoline_lowered:
0x8: {  	[smem:$0x3FAD] =	sst s0  }
0x9: {  	[smem:$0x3FAE] =	sst s1  }
0xa: {  	[smem:$0x3FAF] =	sst s2  }
0xb: {  	[smem:$0x3FB0] =	sst s3  }
0xc: {  	[smem:$0x3FB1] =	sst s4  }
0xd: {  	[smem:$0x3FB2] =	sst s5  }
0xe: {  	[smem:$0x3FB3] =	sst s6  }
0xf: {  	[smem:$0x3FB4] =	sst s7  }
0x10: {  	[smem:$0x3FB5] =	sst s8  }
0x11: {  	[smem:$0x3FB6] =	sst s9;
	s0 =	simm.s32 @!p0 $0x0  }
0x12: {  	s1 =	sld [smem:$0x3F9C];
	s0 =	simm.s32 @p0 $0x1  }
0x13: {  	[smem:$0x3FB7] =	sst s0;
	s0 =	simm.s32 @!p1 $0x0  }
0x14: {  	s2 =	sld [smem:$0x3F9B];
	s0 =	simm.s32 @p1 $0x1  }
0x15: {  	[smem:$0x3FB8] =	sst s0;
	s0 =	simm.s32 @!p2 $0x0  }
0x16: {  	s3 =	sld [smem:$0x3FDB];
	s0 =	simm.s32 @p2 $0x1  }
0x17: {  	s4 =	simm.s32 $0x1BF5;
	[smem:$0x3FBA] =	sst s0  }
0x18: {  	s0 =	sld [smem:$0x3F9D];
	_ =	swait.ge [sflag:s4], $0x0  }
0x19: {  	s7 =	sld [smem:$0x3F9E]  }
0x1a: {  	s8 =	sadd.s32 $0xFFFFE003, lr  }
0x1b: {  	s9 =	sadd.s32 $0xFFFFFEF7, lr;
	s5 =	simm.s32 $0xFFFFFFFF;
	p2 =	slt.u32 s8, $0xFFFFF086  }
0x1c: {  	p1 =	slt.u32 s9, $0xF7A;
	s5 =	simm.s32 @!p2 $0x0  }
0x1d: {  	s5 =	simm.s32 @p1 $0x1;
	p0 =	seq.s32 s7, s2  }
0x1e: {  	s7 =	smul.u32 @!p0 $0xF7A, s2;
	p2 =	seq.s32 @!p0 s5, $0x0  }
0x1f: {  	s9 =	smul.u32 $0xF7A, s1;
	s8 =	simm.s32 @!p0 $0x1BF5;
	p2 =	por !p2, p0  }
0x20: {  	[sflag:s8] =	ssyncset.s32 @!p0 $0xFFFFF086;
	s6 =	sadd.s32 @!p0 s3, s7;
	s7 =	simm.s32 @!p0 $0x108  }
0x21: {  	s3 =	sadd.s32 s3, s9;
	s6 =	sadd.s32 @!p0 $0x88, s6;
	s7 =	simm.s32 @p2 $0x1082  }
0x22: {  	[simem:s7], [sflag:s8] =	dma.local @!p0 [hbm:s6], $0xF7A  }
0x23: {  	s9 =	sor.u32 $0xD0000000, s2;
	s6 =	simm.s32 $0x108;
	_ =	swait.ge @!p0 [sflag:s8], $0x0  }
0x24: {  	s3 =	sadd.s32 $0x88, s3;
	s6 =	simm.s32 @!p1 $0x1082;
	[sflag:s4] =	ssyncset.s32 $0xFFFFF086  }
0x25: {  	[simem:s6], [sflag:s4] =	dma.local [hbm:s3], $0xF7A  }
0x26: {  	[smem:$0x3F9E] =	sst s1;
	(tag) =	ssettag s2;
	_ =	strace s9  }
0x27: {  	s1 =	sld [smem:$0x3FAE]  }
0x28: {  	s2 =	sld [smem:$0x3FAF]  }
0x29: {  	s4 =	sld [smem:$0x3FB1]  }
0x2a: {  	p0 =	seq.s32 s5, $0x0;
	s5 =	sld [smem:$0x3FB2]  }
0x2b: {  	s6 =	sld [smem:$0x3FB3]  }
0x2c: {  	s7 =	sld [smem:$0x3FB4]  }
0x2d: {  	s3 =	simm.s32 $0x108;
	s8 =	sld [smem:$0x3FB5]  }
0x2e: {  	s3 =	simm.s32 @!p0 $0x1082;
	s9 =	sld [smem:$0x3FB6]  }
0x2f: {  	lr =	sadd.s32 s0, s3;
	s0 =	sld [smem:$0x3FAD]  }
0x30: {  	s3 =	sld [smem:$0x3FB0]  }
0x31: {  	[smem:$0x3FB9] =	sst s10  }
0x32: {  	s10 =	sld [smem:$0x3FB7];
	_ =	sdelay $0x3  }
0x33: {  	p0 =	seq.s32 s10, $0x1;
	s10 =	sld [smem:$0x3FB9];
	_ =	sdelay $0x3  }
0x34: {  	[smem:$0x3FB9] =	sst s10  }
0x35: {  	s10 =	sld [smem:$0x3FB8];
	_ =	sdelay $0x3  }
0x36: {  	p1 =	seq.s32 s10, $0x1;
	s10 =	sld [smem:$0x3FB9];
	_ =	sdelay $0x3  }
0x37: {  	[smem:$0x3FB9] =	sst s10  }
0x38: {  	s10 =	sld [smem:$0x3FBA]  }
0x39: {  	_ = 	snop;
	(pc) =	sbr.ind lr, $3  }
0x3a: {  	_ = 	snop  }
0x3b: {  	_ = 	snop  }
0x3c: {  	p2 =	seq.s32 s10, $0x1;
	s10 =	sld [smem:$0x3FB9]  }
0x3d: {  	_ =	shalt  }
0x3e: {  	_ =	shalt  }
0x3f: {  	_ =	shalt  }
0x40: {  	_ =	shalt  }
0x41: {  	_ =	shalt  }
0x42: {  	_ =	shalt  }
0x43: {  	_ =	shalt  }
0x44: {  	_ =	shalt  }
0x45: {  	_ =	shalt  }
0x46: {  	_ =	shalt  }
0x47: {  	_ =	shalt  }
0x48: {  	_ =	shalt  }
0x49: {  	_ =	shalt  }
0x4a: {  	_ =	shalt  }
0x4b: {  	_ =	shalt  }
0x4c: {  	_ =	shalt  }
0x4d: {  	_ =	shalt  }
0x4e: {  	_ =	shalt  }
0x4f: {  	_ =	shalt  }
0x50: {  	_ =	shalt  }
0x51: {  	_ =	shalt  }
0x52: {  	_ =	shalt  }
0x53: {  	_ =	shalt  }
0x54: {  	_ =	shalt  }
0x55: {  	_ =	shalt  }
0x56: {  	_ =	shalt  }
0x57: {  	_ =	shalt  }
0x58: {  	_ =	shalt  }
0x59: {  	_ =	shalt  }
0x5a: {  	_ =	shalt  }
0x5b: {  	_ =	shalt  }
0x5c: {  	_ =	shalt  }
0x5d: {  	_ =	shalt  }
0x5e: {  	_ =	shalt  }
0x5f: {  	_ =	shalt  }
0x60: {  	_ =	shalt  }
0x61: {  	_ =	shalt  }
0x62: {  	_ =	shalt  }
0x63: {  	_ =	shalt  }
0x64: {  	_ =	shalt  }
0x65: {  	_ =	shalt  }
0x66: {  	_ =	shalt  }
0x67: {  	_ =	shalt  }
0x68: {  	_ =	shalt  }
0x69: {  	_ =	shalt  }
0x6a: {  	_ =	shalt  }
0x6b: {  	_ =	shalt  }
0x6c: {  	_ =	shalt  }
0x6d: {  	_ =	shalt  }
0x6e: {  	_ =	shalt  }
0x6f: {  	_ =	shalt  }
0x70: {  	_ =	shalt  }
0x71: {  	_ =	shalt  }
0x72: {  	_ =	shalt  }
0x73: {  	_ =	shalt  }
0x74: {  	_ =	shalt  }
0x75: {  	_ =	shalt  }
0x76: {  	_ =	shalt  }
0x77: {  	_ =	shalt  }
0x78: {  	_ =	shalt  }
0x79: {  	_ =	shalt  }
0x7a: {  	_ =	shalt  }
0x7b: {  	_ =	shalt  }
0x7c: {  	_ =	shalt  }
0x7d: {  	_ =	shalt  }
0x7e: {  	_ =	shalt  }
0x7f: {  	_ =	shalt  }
0x80: {  	_ =	shalt  }
0x81: {  	_ =	shalt  }
0x82: {  	_ =	shalt  }
0x83: {  	_ =	shalt  }
0x84: {  	_ =	shalt  }
0x85: {  	_ =	shalt  }
0x86: {  	_ =	shalt  }
0x87: {  	_ =	shalt  }
.Lfunc_end0:
.L_simem_size_0:
called_computation_lowered:
.L_overlay_start_0:
0x88: {  	s2 =	sld [smem:$0x3FD9]  }
0x89: {  	s3 =	sld [smem:$0x3FFE];
	_ =	sdelay $0x1  }
0x8a: {  	s1 =	srdreg.scid  }
0x8b: {  	s0 =	sand.u32 $0x1, s1  }
0x8c: {  	s17 =	sshll.u32 s0, $0xA;
	s2 =	sadd.s32 s3, s2  }
0x8d: {  	s2 =	sadd.s32 s2, s17  }
0x8e: {  	[smem:$0x3FC5] =	sst s2  }
0x8f: {  	_ = 	snop  }
0x90: {  	s2 =	sld [smem:$0x3FC9]  }
0x91: {  	s18 =	sld [smem:$0x3FD0];
	(tm) =	ssettm $0x1  }
0x92: {  	s4 =	sld [smem:$0x3FFB];
	_ =	sdelay $0x3  }
0x93: {  	_ =	strace s4  }
0x94: {  	s4 =	sld [smem:$0x3FFC];
	_ =	sdelay $0x3  }
0x95: {  	_ =	strace s4  }
0x96: {  	s4 =	sld [smem:$0x3FFD];
	_ =	sdelay $0x3  }
0x97: {  	_ =	strace s4  }
0x98: {  	_ =	strace $0x8FFFFFFF  }
0x99: {  	s19 =	sld [smem:$0x3FDB];
	_ =	sdelay $0x1  }
0x9a: {  	s5 =	simm.s32 $_scs_section_size  }
0x9b: {  	s6 =	simm.s32 $_size__tile_overlayer_lowered;
	s7 =	simm.s32 $_tile_overlayer_lowered  }
0x9c: {  	s22 =	simm.s32 $0x1BFF;
	s21 =	sshll.u32 s7, $0x1;
	s4 =	sadd.s32 s5, s19  }
0x9d: {  	s8 =	simm.s32 $0x0;
	s20 =	sshll.u32 s6, $0x1;
	s6 =	sadd.s32 s21, s4  }
0x9e: {  	[timem:s8], [sflag:s22] =	dma.local [hbm:s6], s20  }
0x9f: {  	_ =	swait.ge [sflag:s22], s20  }
0xa0: {  	s5 =	ssub.s32 $0x0, s20;
	[sflag:s22] =	ssyncset.done $0x0  }
0xa1: {  	[sflag:s22] =	ssyncadd.s32 s5;
	_ =	sdelay $0x1  }
0xa2: {  	s23 =	simm.s32 $0x1B8B  }
0xa3: {  	_ =	swait.ge [sflag:s23], $0x1  }
0xa4: {  	[sflag:s23] =	ssyncset.done $0x0  }
0xa5: {  	s25 =	simm.s32 $0x1B8E;
	s24 =	sld [smem:$0x3FFE];
	[sflag:s23] =	ssyncadd.s32 $0xFFFFFFFF  }
0xa6: {  	s26 =	simm.s32 $execute0_lowered;
	[smem:$0x3FD2] =	sst s25  }
0xa7: {  	s6 =	sshll.u32 s26, $0x1;
	_ =	strace $0x80000046;
	[dreg:$0x1] =	wrdreg $0xFFFFFFFF  }
0xa8: {  	s28 =	simm.s32 $_size_execute0_lowered;
	s4 =	sadd.s32 s4, s6;
	[dreg:$0x0] =	wrdreg $0x0  }
0xa9: {  	s6 =	sshll.u32 s28, $0x1;
	[dreg:$0x2] =	wrdreg s4  }
0xaa: {  	[dreg:$0x3] =	wrdreg s6  }
0xab: {  	[dreg:$0x4] =	wrdreg $0xC0  }
0xac: {  	_ =	task [dreg:s8], $0x5FFFF  }
0xad: {  	[dreg:$0x1] =	wrdreg $0xFFFFFFFF  }
0xae: {  	[dreg:$0x0] =	wrdreg $0x60  }
0xaf: {  	[dreg:$0x2] =	wrdreg s2  }
0xb0: {  	[dreg:$0x3] =	wrdreg s24  }
0xb1: {  	[dreg:$0x4] =	wrdreg s18  }
0xb2: {  	[dreg:$0x5] =	wrdreg $0x9  }
0xb3: {  	_ =	task.clear_ibuf [dreg:s8], $0x6FFFF;
	_ =	strace $0x90000046  }
0xb4: {  	s29 =	simm.s32 $0x9;
	_ =	strace $0x80000048  }
0xb5: {  	_ =	swait.ge [sflag:s29], $0x1  }
0xb6: {  	[sflag:s29] =	ssyncadd.s32 $0xFFFFFFFF  }
0xb7: {  	_ =	strace $0x90000048  }
0xb8: {  	_ =	sfence  }
0xb9: {  	s30 =	sld [smem:$0x0];
	_ =	sdelay $0x2  }
0xba: {  	s31 =	sshll.u32 s1, $0xD;
	s1 =	sshrl.u32 s1, $0x2  }
0xbb: {  	s3 =	sand.u32 $0x4000, s31;
	s1 =	sadd.s32 s1, s30  }
0xbc: {  	s0 =	sor.u32 s3, s0;
	s1 =	sshll.u32 s1, $0x11  }
0xbd: {  	s0 =	sor.u32 s1, s0  }
0xbe: {  	s0 =	sadd.s32 $0x8F2B, s0  }
0xbf: {  	[sflag:s0] =	ssyncadd.remote.s32 $0x1  }
0xc0: {  	_ =	sfence.sel $0xFFFF  }
0xc1: {  	[dreg:$0x0] =	wrdreg $0xFFFFFFFF;
	(pc) =	sbr.abs _section_cstart, $3  }
0xc2: {  	[dreg:$0x1] =	wrdreg $0xFFFFFFFF  }
0xc3: {  	_ =	task.clear_ibuf [dreg:s8], $0x2FFFF;
	_ =	strace $0x9FFFFFFF  }
0xc4: {  	(tm) =	ssettm $0x7FFFFFFF  }
0xc5: {  	_ =	shalt  }
tec
execute0_lowered:
.L_overlay_start_1:
0x0: {  	(tag) =	ssettag $0x1  }
0x1: {  	s0 =	srdreg.scid  }
0x2: {  	s5 =	rddreg [dreg:$0x0];
	s2 =	stileid.u32  }
0x3: {  	s1 =	rddreg [dreg:$0x1];
	s30 =	simm.s32 $0x0;
	s0 =	sand.u32 $0x1, s0  }
0x4: {  	s2 =	sshll.u32 s2, $0xC;
	[smem:$0x7FF] =	sst s30;
	s3 =	sshll.u32 s0, $0xB  }
0x5: {  	s6 =	sadd.s32 $0x1800, s1;
	s7 =	sadd.s32 $0x400, s1;
	s2 =	sor.u32 s3, s2  }
0x6: {  	s1 =	sadd.s32 $0x500, s1;
	s0 =	ssub.s32 $0x2, s0;
	[dreg:$0x7] =	wrdreg s2  }
0x7: {  	s4 =	sshrl.u32 s0, $0x1;
	_ =	strace $0x80000047;
	[dreg:$0x9] =	wrdreg s7  }
0x8: {  	s2 =	sshrl.u32 s2, $0x3;
	s0 =	ssub.s32 s0, s4;
	[dreg:$0x8] =	wrdreg s6  }
0x9: {  	s31 =	smul.u32 $0x180, s2;
	s2 =	sadd.s32 s6, s2;
	[dreg:$0xc] =	wrdreg s1  }
0xa: {  	v2 =	vlaneseq.u32;
	s0 =	smax.u32 s0, $0x1;
	[dreg:$0xb] =	wrdreg s2  }
0xb: {  	vm0 =	vmmov $0xffff;
	vm1 =	vmmov $0xff;
	v1 =	vshrl.u32 v2, $0x3;
	[dreg:$0xd] =	wrdreg s0;
	s3 =	sadd.s32 s5, s31  }
0xc: {  	v0 =	vand.u32 $0x7, v2;
	v2 =	vor.u32 $0x8, v2;
	v1 =	vmul.u32 $0x8, v1;
	s2 =	simm.s32 $0x0;
	[dreg:$0xa] =	wrdreg s3  }
.LBB2_1:
0xd: {  	[dreg:$0xe] =	wrdreg s2  }
0xe: {  	s0 =	simm.s32 $0x0;
	s1 =	rddreg [dreg:$0xa]  }
0xf: {  	[tilespmem:s0], [sflag:$0x1] =	stream.linear.gather [hbm4b:s1+s0], $0x6000, $0x38;
	[tilespmem:$0x18100] =	vst v63  }
0x10: {  	s11 =	rddreg [dreg:$0xb];
	s12 =	simm.s32 $0x18000;
	s13 =	simm.s32 $0x7  }
0x11: {  	[tilespmem:s12], [sflag:$0x7] =	stream.linear.gather [hbm4b:s11+s0], $0x40, $0x38;
	[tilespmem:$0x18100] =	vst v63  }
0x12: {  	_ =	swait.ge [sflag:s13], $0x40  }
0x13: {  	[sflag:s13] =	ssyncset.done $0x0  }
0x14: {  	[sflag:s13] =	ssyncadd.s32 $0xFFFFFFC0  }
0x15: {  	v3 =	vld [tilespmem:$0x18000];
	_ =	sdelay $0x4  }
0x16: {  	v4 =	vshrl.u32 v3, $0x3  }
0x17: {  	v4 =	vmul.u32 $0x18, v4  }
0x18: {  	v3 =	vand.u32 $0x7, v3  }
0x19: {  	v3 =	vor.u32 v3, v4  }
0x1a: {  	v4 =	vperm.xlane v3, v0;
	_ =	sdelay $0x1  }
0x1b: {  	v4 =	vadd.s32 v1, v4;
	_ =	sdelay $0x1  }
0x1c: {  	v3 =	vperm.xlane v3, v2;
	_ =	sdelay $0x1  }
0x1d: {  	s15 =	simm.s32 $0xC000;
	s14 =	rddreg [dreg:$0x9];
	v3 =	vadd.s32 v1, v3  }
0x1e: {  	[tilespmem:s15], [sflag:$0x3] =	stream.indirect_vreg.gather [hbm4b:s14+s0], $0x80, v4, vm0, $0xb8;
	[tilespmem:$0x18100] =	vst v63  }
0x1f: {  	s3 =	simm.s32 $0xC800;
	s16 =	rddreg [dreg:$0xc]  }
0x20: {  	[tilespmem:s3], [sflag:$0x3] =	stream.indirect_vreg.gather [hbm4b:s16+s0], $0x80, v4, vm1, $0xb8;
	[tilespmem:$0x18100] =	vst v63  }
0x21: {  	s17 =	simm.s32 $0xCC00  }
0x22: {  	[tilespmem:s17], [sflag:$0x3] =	stream.indirect_vreg.gather [hbm4b:s14+s0], $0x80, v3, vm0, $0xb8;
	[tilespmem:$0x18100] =	vst v63  }
0x23: {  	s18 =	simm.s32 $0xD400  }
0x24: {  	[tilespmem:s18], [sflag:$0x3] =	stream.indirect_vreg.gather [hbm4b:s16+s0], $0x80, v3, vm1, $0xb8;
	[tilespmem:$0x18100] =	vst v63  }
0x25: {  	v3 =	vld [tilespmem:$0x18010];
	_ =	sdelay $0x4  }
0x26: {  	v61 =	vshrl.u32 v3, $0x3  }
0x27: {  	v4 =	vmul.u32 $0x18, v61  }
0x28: {  	v3 =	vand.u32 $0x7, v3  }
0x29: {  	v3 =	vor.u32 v3, v4  }
0x2a: {  	v4 =	vperm.xlane v3, v0;
	_ =	sdelay $0x1  }
0x2b: {  	v4 =	vadd.s32 v1, v4;
	_ =	sdelay $0x1  }
0x2c: {  	v3 =	vperm.xlane v3, v2;
	_ =	sdelay $0x1  }
0x2d: {  	s19 =	simm.s32 $0xD800;
	v3 =	vadd.s32 v1, v3  }
0x2e: {  	[tilespmem:s19], [sflag:$0x3] =	stream.indirect_vreg.gather [hbm4b:s14+s0], $0x80, v4, vm0, $0xb8;
	[tilespmem:$0x18100] =	vst v63  }
0x2f: {  	s20 =	simm.s32 $0xE000  }
0x30: {  	[tilespmem:s20], [sflag:$0x3] =	stream.indirect_vreg.gather [hbm4b:s16+s0], $0x80, v4, vm1, $0xb8;
	[tilespmem:$0x18100] =	vst v63  }
0x31: {  	s21 =	simm.s32 $0xE400  }
0x32: {  	[tilespmem:s21], [sflag:$0x3] =	stream.indirect_vreg.gather [hbm4b:s14+s0], $0x80, v3, vm0, $0xb8;
	[tilespmem:$0x18100] =	vst v63  }
0x33: {  	s22 =	simm.s32 $0xEC00  }
0x34: {  	[tilespmem:s22], [sflag:$0x3] =	stream.indirect_vreg.gather [hbm4b:s16+s0], $0x80, v3, vm1, $0xb8;
	[tilespmem:$0x18100] =	vst v63  }
0x35: {  	v3 =	vld [tilespmem:$0x18020];
	_ =	sdelay $0x4  }
0x36: {  	v62 =	vshrl.u32 v3, $0x3  }
0x37: {  	v4 =	vmul.u32 $0x18, v62  }
0x38: {  	v3 =	vand.u32 $0x7, v3  }
0x39: {  	v3 =	vor.u32 v3, v4  }
0x3a: {  	v4 =	vperm.xlane v3, v0;
	_ =	sdelay $0x1  }
0x3b: {  	v4 =	vadd.s32 v1, v4;
	_ =	sdelay $0x1  }
0x3c: {  	v3 =	vperm.xlane v3, v2;
	_ =	sdelay $0x1  }
0x3d: {  	s23 =	simm.s32 $0xF000;
	v3 =	vadd.s32 v1, v3  }
0x3e: {  	[tilespmem:s23], [sflag:$0x3] =	stream.indirect_vreg.gather [hbm4b:s14+s0], $0x80, v4, vm0, $0xb8;
	[tilespmem:$0x18100] =	vst v63  }
0x3f: {  	s24 =	simm.s32 $0xF800  }
0x40: {  	[tilespmem:s24], [sflag:$0x3] =	stream.indirect_vreg.gather [hbm4b:s16+s0], $0x80, v4, vm1, $0xb8;
	[tilespmem:$0x18100] =	vst v63  }
0x41: {  	s25 =	simm.s32 $0xFC00  }
0x42: {  	[tilespmem:s25], [sflag:$0x3] =	stream.indirect_vreg.gather [hbm4b:s14+s0], $0x80, v3, vm0, $0xb8;
	[tilespmem:$0x18100] =	vst v63  }
0x43: {  	s26 =	simm.s32 $0x10400  }
0x44: {  	[tilespmem:s26], [sflag:$0x3] =	stream.indirect_vreg.gather [hbm4b:s16+s0], $0x80, v3, vm1, $0xb8;
	[tilespmem:$0x18100] =	vst v63  }
0x45: {  	v3 =	vld [tilespmem:$0x18030];
	_ =	sdelay $0x4  }
0x46: {  	v63 =	vshrl.u32 v3, $0x3  }
0x47: {  	v4 =	vmul.u32 $0x18, v63  }
0x48: {  	v3 =	vand.u32 $0x7, v3  }
0x49: {  	v3 =	vor.u32 v3, v4  }
0x4a: {  	v4 =	vperm.xlane v3, v0;
	_ =	sdelay $0x1  }
0x4b: {  	v4 =	vadd.s32 v1, v4;
	_ =	sdelay $0x1  }
0x4c: {  	v3 =	vperm.xlane v3, v2;
	_ =	sdelay $0x1  }
0x4d: {  	s28 =	simm.s32 $0x10800;
	v3 =	vadd.s32 v1, v3  }
0x4e: {  	[tilespmem:s28], [sflag:$0x3] =	stream.indirect_vreg.gather [hbm4b:s14+s0], $0x80, v4, vm0, $0xb8;
	[tilespmem:$0x18100] =	vst v63  }
0x4f: {  	s29 =	simm.s32 $0x11000  }
0x50: {  	[tilespmem:s29], [sflag:$0x3] =	stream.indirect_vreg.gather [hbm4b:s16+s0], $0x80, v4, vm1, $0xb8;
	[tilespmem:$0x18100] =	vst v63  }
0x51: {  	s30 =	simm.s32 $0x11400  }
0x52: {  	[tilespmem:s30], [sflag:$0x3] =	stream.indirect_vreg.gather [hbm4b:s14+s0], $0x80, v3, vm0, $0xb8;
	[tilespmem:$0x18100] =	vst v63  }
0x53: {  	s31 =	simm.s32 $0x11C00;
	s9 =	simm.s32 $0x0  }
0x54: {  	[tilespmem:s31], [sflag:$0x3] =	stream.indirect_vreg.gather [hbm4b:s16+s0], $0x80, v3, vm1, $0xb8;
	[tilespmem:$0x18100] =	vst v63  }
.LBB2_2:
0x55: {  	p0 =	seq.s32 s9, $0x0  }
.Ltmp0:
0x56: {  	_ = 	snop;
	(pc) =	sbr.rel @p0 .LBB2_5-.Ltmp0, $3  }
0x57: {  	_ =	sdelay $0x1  }
0x58: {  	s8 =	sadd.s32 $0x1, s9  }
0x59: {  	s1 =	sand.u32 $0x1, s8  }
0x5a: {  	p0 =	seq.s32 s9, $0x1F  }
.Ltmp1:
0x5b: {  	_ = 	snop;
	(pc) =	sbr.rel @p0 .LBB2_6-.Ltmp1, $1  }
0x5c: {  	_ =	sdelay $0x3  }
0x5d: {  	s0 =	sadd.s32 $0x5, s1  }
0x5e: {  	_ =	swait.ge [sflag:s0], $0x6000  }
0x5f: {  	[sflag:s0] =	ssyncset.done $0x0  }
0x60: {  	[sflag:s0] =	ssyncadd.s32 $0xFFFFA000  }
.LBB2_5:
0x61: {  	s0 =	sshll.u32 s8, $0x6;
	s2 =	rddreg [dreg:$0x7]  }
0x62: {  	s0 =	sadd.s32 s2, s0  }
0x63: {  	s2 =	sshrl.u32 s0, $0x3  }
0x64: {  	s4 =	sadd.s32 $0x1, s1;
	s3 =	smul.u32 $0x180, s2  }
0x65: {  	s5 =	rddreg [dreg:$0x0];
	s6 =	simm.s32 $0x0;
	s0 =	smul.u32 $0x6000, s1  }
0x66: {  	s10 =	sshll.u32 s1, $0x7;
	s7 =	rddreg [dreg:$0x8];
	s3 =	sadd.s32 s5, s3  }
0x67: {  	[tilespmem:s0], [sflag:s4] =	stream.linear.gather [hbm4b:s3+s6], $0x6000, $0x38;
	[tilespmem:$0x18100] =	vst v63  }
0x68: {  	s12 =	sadd.s32 $0x7, s1;
	s11 =	sor.u32 $0x18000, s10;
	s2 =	sadd.s32 s7, s2  }
0x69: {  	[tilespmem:s11], [sflag:s12] =	stream.linear.gather [hbm4b:s2+s6], $0x40, $0x38;
	[tilespmem:$0x18100] =	vst v63  }
0x6a: {  	_ =	swait.ge [sflag:s12], $0x40  }
0x6b: {  	[sflag:s12] =	ssyncset.done $0x0  }
0x6c: {  	[sflag:s12] =	ssyncadd.s32 $0xFFFFFFC0  }
0x6d: {  	v3 =	vld [tilespmem:s10+$0x18000];
	_ =	sdelay $0x4  }
0x6e: {  	v4 =	vshrl.u32 v3, $0x3  }
0x6f: {  	v4 =	vmul.u32 $0x18, v4  }
0x70: {  	v3 =	vand.u32 $0x7, v3  }
0x71: {  	v3 =	vor.u32 v3, v4  }
0x72: {  	v4 =	vperm.xlane v3, v0;
	_ =	sdelay $0x1  }
0x73: {  	v4 =	vadd.s32 v1, v4;
	_ =	sdelay $0x1  }
0x74: {  	v3 =	vperm.xlane v3, v2;
	_ =	sdelay $0x1  }
0x75: {  	s14 =	sadd.s32 $0x3, s1;
	s13 =	sadd.s32 $0xC000, s0;
	s15 =	rddreg [dreg:$0x9];
	v3 =	vadd.s32 v1, v3  }
0x76: {  	[tilespmem:s13], [sflag:s14] =	stream.indirect_vreg.gather [hbm4b:s15+s6], $0x80, v4, vm0, $0xb8;
	[tilespmem:$0x18100] =	vst v63  }
0x77: {  	s16 =	sadd.s32 $0xC800, s0;
	s17 =	rddreg [dreg:$0xc]  }
0x78: {  	[tilespmem:s16], [sflag:s14] =	stream.indirect_vreg.gather [hbm4b:s17+s6], $0x80, v4, vm1, $0xb8;
	[tilespmem:$0x18100] =	vst v63  }
0x79: {  	s18 =	sadd.s32 $0xCC00, s0  }
0x7a: {  	[tilespmem:s18], [sflag:s14] =	stream.indirect_vreg.gather [hbm4b:s15+s6], $0x80, v3, vm0, $0xb8;
	[tilespmem:$0x18100] =	vst v63  }
0x7b: {  	s19 =	sadd.s32 $0xD400, s0  }
0x7c: {  	[tilespmem:s19], [sflag:s14] =	stream.indirect_vreg.gather [hbm4b:s17+s6], $0x80, v3, vm1, $0xb8;
	[tilespmem:$0x18100] =	vst v63  }
0x7d: {  	v3 =	vld [tilespmem:s10+$0x18010];
	_ =	sdelay $0x4  }
0x7e: {  	v61 =	vshrl.u32 v3, $0x3  }
0x7f: {  	v4 =	vmul.u32 $0x18, v61  }
0x80: {  	v3 =	vand.u32 $0x7, v3  }
0x81: {  	v3 =	vor.u32 v3, v4  }
0x82: {  	v4 =	vperm.xlane v3, v0;
	_ =	sdelay $0x1  }
0x83: {  	v4 =	vadd.s32 v1, v4;
	_ =	sdelay $0x1  }
0x84: {  	v3 =	vperm.xlane v3, v2;
	_ =	sdelay $0x1  }
0x85: {  	s20 =	sadd.s32 $0xD800, s0;
	v3 =	vadd.s32 v1, v3  }
0x86: {  	[tilespmem:s20], [sflag:s14] =	stream.indirect_vreg.gather [hbm4b:s15+s6], $0x80, v4, vm0, $0xb8;
	[tilespmem:$0x18100] =	vst v63  }
0x87: {  	s21 =	sadd.s32 $0xE000, s0  }
0x88: {  	[tilespmem:s21], [sflag:s14] =	stream.indirect_vreg.gather [hbm4b:s17+s6], $0x80, v4, vm1, $0xb8;
	[tilespmem:$0x18100] =	vst v63  }
0x89: {  	s22 =	sadd.s32 $0xE400, s0  }
0x8a: {  	[tilespmem:s22], [sflag:s14] =	stream.indirect_vreg.gather [hbm4b:s15+s6], $0x80, v3, vm0, $0xb8;
	[tilespmem:$0x18100] =	vst v63  }
0x8b: {  	s23 =	sadd.s32 $0xEC00, s0  }
0x8c: {  	[tilespmem:s23], [sflag:s14] =	stream.indirect_vreg.gather [hbm4b:s17+s6], $0x80, v3, vm1, $0xb8;
	[tilespmem:$0x18100] =	vst v63  }
0x8d: {  	v3 =	vld [tilespmem:s10+$0x18020];
	_ =	sdelay $0x4  }
0x8e: {  	v62 =	vshrl.u32 v3, $0x3  }
0x8f: {  	v4 =	vmul.u32 $0x18, v62  }
0x90: {  	v3 =	vand.u32 $0x7, v3  }
0x91: {  	v3 =	vor.u32 v3, v4  }
0x92: {  	v4 =	vperm.xlane v3, v0;
	_ =	sdelay $0x1  }
0x93: {  	v4 =	vadd.s32 v1, v4;
	_ =	sdelay $0x1  }
0x94: {  	v3 =	vperm.xlane v3, v2;
	_ =	sdelay $0x1  }
0x95: {  	s24 =	sadd.s32 $0xF000, s0;
	v3 =	vadd.s32 v1, v3  }
0x96: {  	[tilespmem:s24], [sflag:s14] =	stream.indirect_vreg.gather [hbm4b:s15+s6], $0x80, v4, vm0, $0xb8;
	[tilespmem:$0x18100] =	vst v63  }
0x97: {  	s25 =	sadd.s32 $0xF800, s0  }
0x98: {  	[tilespmem:s25], [sflag:s14] =	stream.indirect_vreg.gather [hbm4b:s17+s6], $0x80, v4, vm1, $0xb8;
	[tilespmem:$0x18100] =	vst v63  }
0x99: {  	s26 =	sadd.s32 $0xFC00, s0  }
0x9a: {  	[tilespmem:s26], [sflag:s14] =	stream.indirect_vreg.gather [hbm4b:s15+s6], $0x80, v3, vm0, $0xb8;
	[tilespmem:$0x18100] =	vst v63  }
0x9b: {  	s28 =	sor.u32 $0x10400, s0  }
0x9c: {  	[tilespmem:s28], [sflag:s14] =	stream.indirect_vreg.gather [hbm4b:s17+s6], $0x80, v3, vm1, $0xb8;
	[tilespmem:$0x18100] =	vst v63  }
0x9d: {  	v3 =	vld [tilespmem:s10+$0x18030];
	_ =	sdelay $0x4  }
0x9e: {  	v63 =	vshrl.u32 v3, $0x3  }
0x9f: {  	v4 =	vmul.u32 $0x18, v63  }
0xa0: {  	v3 =	vand.u32 $0x7, v3  }
0xa1: {  	v3 =	vor.u32 v3, v4  }
0xa2: {  	v4 =	vperm.xlane v3, v0;
	_ =	sdelay $0x1  }
0xa3: {  	v4 =	vadd.s32 v1, v4;
	_ =	sdelay $0x1  }
0xa4: {  	v3 =	vperm.xlane v3, v2;
	_ =	sdelay $0x1  }
0xa5: {  	s29 =	sor.u32 $0x10800, s0;
	v3 =	vadd.s32 v1, v3  }
0xa6: {  	[tilespmem:s29], [sflag:s14] =	stream.indirect_vreg.gather [hbm4b:s15+s6], $0x80, v4, vm0, $0xb8;
	[tilespmem:$0x18100] =	vst v63  }
0xa7: {  	s30 =	sor.u32 $0x11000, s0  }
0xa8: {  	[tilespmem:s30], [sflag:s14] =	stream.indirect_vreg.gather [hbm4b:s17+s6], $0x80, v4, vm1, $0xb8;
	[tilespmem:$0x18100] =	vst v63  }
0xa9: {  	s31 =	sor.u32 $0x11400, s0  }
0xaa: {  	[tilespmem:s31], [sflag:s14] =	stream.indirect_vreg.gather [hbm4b:s15+s6], $0x80, v3, vm0, $0xb8;
	[tilespmem:$0x18100] =	vst v63  }
0xab: {  	s0 =	sor.u32 $0x11C00, s0  }
0xac: {  	[tilespmem:s0], [sflag:s14] =	stream.indirect_vreg.gather [hbm4b:s17+s6], $0x80, v3, vm1, $0xb8;
	[tilespmem:$0x18100] =	vst v63  }
.LBB2_6:
0xad: {  	[dreg:$0xf] =	wrdreg s8;
	s1 =	sand.u32 $0x1, s9  }
0xae: {  	[dreg:$0x10] =	wrdreg s9;
	s0 =	sadd.s32 $0x1, s1  }
0xaf: {  	s23 =	simm.s32 $0x0;
	s24 =	simm.s32 $0x0;
	_ =	swait.ge [sflag:s0], $0x6000  }
0xb0: {  	s10 =	smul.u32 $0x6000, s1;
	s3 =	sadd.s32 $0x3, s1;
	[sflag:s0] =	ssyncset.done $0x0  }
0xb1: {  	s2 =	smul.u32 $0xC00, s23;
	[dreg:$0x11] =	wrdreg s1;
	[sflag:s0] =	ssyncadd.s32 $0xFFFFA000  }
0xb2: {  	s0 =	sand.u32 $0x300, s24;
	_ =	swait.ge [sflag:s3], $0x6000  }
0xb3: {  	s2 =	sadd.s32 s10, s2;
	s1 =	sor.u32 $0x80, s0;
	[sflag:s3] =	ssyncset.done $0x0  }
0xb4: {  	s25 =	sor.u32 s1, s2;
	[sflag:s3] =	ssyncadd.s32 $0xFFFFA000  }
0xb5: {  	v3 =	vld [tilespmem:s25+$0x0]  }
0xb6: {  	v4 =	vld [tilespmem:s25+$0xC000];
	_ =	sdelay $0x4  }
0xb7: {  	v3 =	vadd.f32 v4, v3;
	_ =	sdelay $0x1  }
0xb8: {  	s4 =	sor.u32 $0x10, s25;
	[tilespmem:s25+$0xC000] =	vst v3;
	v3 =	vld [tilespmem:s25+$0xC010]  }
0xb9: {  	v4 =	vld [tilespmem:s4+$0x0];
	_ =	sdelay $0x4  }
0xba: {  	v3 =	vadd.f32 v3, v4;
	_ =	sdelay $0x1  }
0xbb: {  	s5 =	sor.u32 $0x20, s25;
	[tilespmem:s25+$0xC010] =	vst v3;
	v3 =	vld [tilespmem:s25+$0xC020]  }
0xbc: {  	s26 =	sor.u32 s0, s2;
	v4 =	vld [tilespmem:s5+$0x0]  }
0xbd: {  	v5 =	vld [tilespmem:s26+$0x0]  }
0xbe: {  	v6 =	vld [tilespmem:s26+$0xC000];
	_ =	sdelay $0x2  }
0xbf: {  	v3 =	vadd.f32 v3, v4;
	_ =	sdelay $0x1  }
0xc0: {  	s28 =	sor.u32 $0x30, s25;
	v4 =	vadd.f32 v6, v5;
	[tilespmem:s25+$0xC020] =	vst v3;
	v3 =	vld [tilespmem:s25+$0xC030]  }
0xc1: {  	v5 =	vld [tilespmem:s28+$0x0]  }
0xc2: {  	s6 =	sor.u32 $0x10, s26;
	v6 =	vld [tilespmem:s26+$0xC010];
	[tilespmem:s26+$0xC000] =	vst v4  }
0xc3: {  	v4 =	vld [tilespmem:s6+$0x0];
	_ =	sdelay $0x2  }
0xc4: {  	v3 =	vadd.f32 v3, v5;
	_ =	sdelay $0x1  }
0xc5: {  	s7 =	sor.u32 $0x40, s25;
	v4 =	vadd.f32 v6, v4;
	[tilespmem:s25+$0xC030] =	vst v3;
	v3 =	vld [tilespmem:s25+$0xC040]  }
0xc6: {  	v5 =	vld [tilespmem:s7+$0x0]  }
0xc7: {  	s8 =	sor.u32 $0x20, s26;
	v6 =	vld [tilespmem:s26+$0xC020];
	[tilespmem:s26+$0xC010] =	vst v4  }
0xc8: {  	v4 =	vld [tilespmem:s8+$0x0];
	_ =	sdelay $0x2  }
0xc9: {  	v3 =	vadd.f32 v3, v5;
	_ =	sdelay $0x1  }
0xca: {  	s9 =	sor.u32 $0x50, s25;
	v4 =	vadd.f32 v6, v4;
	[tilespmem:s25+$0xC040] =	vst v3;
	v3 =	vld [tilespmem:s25+$0xC050]  }
0xcb: {  	v5 =	vld [tilespmem:s9+$0x0]  }
0xcc: {  	s11 =	sor.u32 $0x30, s26;
	v6 =	vld [tilespmem:s26+$0xC030];
	[tilespmem:s26+$0xC020] =	vst v4  }
0xcd: {  	v4 =	vld [tilespmem:s11+$0x0];
	_ =	sdelay $0x2  }
0xce: {  	v3 =	vadd.f32 v3, v5;
	_ =	sdelay $0x1  }
0xcf: {  	s12 =	sor.u32 $0x60, s25;
	v4 =	vadd.f32 v6, v4;
	[tilespmem:s25+$0xC050] =	vst v3;
	v3 =	vld [tilespmem:s25+$0xC060]  }
0xd0: {  	v5 =	vld [tilespmem:s12+$0x0]  }
0xd1: {  	s13 =	sor.u32 $0x40, s26;
	v6 =	vld [tilespmem:s26+$0xC040];
	[tilespmem:s26+$0xC030] =	vst v4  }
0xd2: {  	v4 =	vld [tilespmem:s13+$0x0];
	_ =	sdelay $0x2  }
0xd3: {  	v3 =	vadd.f32 v3, v5;
	_ =	sdelay $0x1  }
0xd4: {  	s14 =	sor.u32 $0x70, s25;
	v4 =	vadd.f32 v6, v4;
	[tilespmem:s25+$0xC060] =	vst v3;
	v3 =	vld [tilespmem:s25+$0xC070]  }
0xd5: {  	v5 =	vld [tilespmem:s14+$0x0]  }
0xd6: {  	s15 =	sor.u32 $0x50, s26;
	v6 =	vld [tilespmem:s26+$0xC050];
	[tilespmem:s26+$0xC040] =	vst v4  }
0xd7: {  	v4 =	vld [tilespmem:s15+$0x0];
	_ =	sdelay $0x2  }
0xd8: {  	v3 =	vadd.f32 v3, v5  }
0xd9: {  	s16 =	sadd.s32 $0x400, s2  }
0xda: {  	s7 =	sor.u32 s1, s16;
	v5 =	vld [tilespmem:s26+$0xC060];
	v4 =	vadd.f32 v6, v4;
	[tilespmem:s25+$0xC070] =	vst v3  }
0xdb: {  	v3 =	vld [tilespmem:s7+$0x0]  }
0xdc: {  	s17 =	sor.u32 $0x60, s26;
	[tilespmem:s26+$0xC050] =	vst v4;
	v4 =	vld [tilespmem:s7+$0xC000]  }
0xdd: {  	v6 =	vld [tilespmem:s17+$0x0];
	_ =	sdelay $0x3  }
0xde: {  	v3 =	vadd.f32 v4, v3  }
0xdf: {  	v4 =	vld [tilespmem:s26+$0xC070];
	v5 =	vadd.f32 v5, v6  }
0xe0: {  	s18 =	sor.u32 $0x10, s7;
	[tilespmem:s7+$0xC000] =	vst v3;
	v3 =	vld [tilespmem:s7+$0xC010]  }
0xe1: {  	s6 =	sor.u32 $0x70, s26;
	[tilespmem:s26+$0xC060] =	vst v5;
	v5 =	vld [tilespmem:s18+$0x0]  }
0xe2: {  	v6 =	vld [tilespmem:s6+$0x0];
	_ =	sdelay $0x3  }
0xe3: {  	v3 =	vadd.f32 v3, v5  }
0xe4: {  	v4 =	vadd.f32 v4, v6  }
0xe5: {  	s20 =	simm.s32 $0x0;
	s19 =	sor.u32 $0x20, s7;
	[tilespmem:s7+$0xC010] =	vst v3;
	v3 =	vld [tilespmem:s7+$0xC020]  }
0xe6: {  	s21 =	smul.u32 $0xC00, s20;
	[tilespmem:s26+$0xC070] =	vst v4;
	v4 =	vld [tilespmem:s19+$0x0]  }
0xe7: {  	s22 =	simm.s32 $0x100;
	s3 =	sor.u32 s0, s16  }
0xe8: {  	s9 =	sand.u32 $0x300, s22;
	s13 =	sadd.s32 s10, s21;
	v5 =	vld [tilespmem:s3+$0x0]  }
0xe9: {  	s11 =	sor.u32 $0x80, s9;
	s4 =	sor.u32 s9, s13;
	v6 =	vld [tilespmem:s3+$0xC000]  }
0xea: {  	v12 =	vld [tilespmem:s4+$0x0];
	s6 =	sor.u32 s11, s13  }
0xeb: {  	v8 =	vld [tilespmem:s6+$0x0];
	v3 =	vadd.f32 v3, v4  }
0xec: {  	v4 =	vld [tilespmem:s6+$0xC000]  }
0xed: {  	s23 =	sor.u32 $0x30, s7;
	[tilespmem:s7+$0xC020] =	vst v3;
	v3 =	vld [tilespmem:s7+$0xC030]  }
0xee: {  	v5 =	vadd.f32 v6, v5;
	v6 =	vld [tilespmem:s23+$0x0]  }
0xef: {  	v14 =	vld [tilespmem:s4+$0xC060]  }
0xf0: {  	s24 =	sor.u32 $0x10, s3;
	v7 =	vld [tilespmem:s3+$0xC010];
	[tilespmem:s3+$0xC000] =	vst v5  }
0xf1: {  	v10 =	vld [tilespmem:s24+$0x0];
	v4 =	vadd.f32 v4, v8  }
0xf2: {  	v9 =	vld [tilespmem:s3+$0xC020]  }
0xf3: {  	s25 =	sor.u32 $0x10, s6;
	[tilespmem:s6+$0xC000] =	vst v4;
	v4 =	vld [tilespmem:s6+$0xC010];
	v3 =	vadd.f32 v3, v6  }
0xf4: {  	v6 =	vld [tilespmem:s25+$0x0]  }
0xf5: {  	s26 =	sor.u32 $0x40, s7;
	[tilespmem:s7+$0xC030] =	vst v3;
	v3 =	vld [tilespmem:s7+$0xC040]  }
0xf6: {  	v7 =	vadd.f32 v7, v10;
	v10 =	vld [tilespmem:s26+$0x0]  }
0xf7: {  	v11 =	vld [tilespmem:s3+$0xC050]  }
0xf8: {  	s28 =	sor.u32 $0x20, s3;
	[tilespmem:s3+$0xC010] =	vst v7;
	v7 =	vld [tilespmem:s4+$0xC000]  }
0xf9: {  	v4 =	vadd.f32 v4, v6;
	v6 =	vld [tilespmem:s28+$0x0]  }
0xfa: {  	v5 =	vld [tilespmem:s3+$0xC030]  }
0xfb: {  	s8 =	sor.u32 $0x20, s6;
	[tilespmem:s6+$0xC010] =	vst v4;
	v4 =	vld [tilespmem:s6+$0xC020];
	v3 =	vadd.f32 v3, v10  }
0xfc: {  	v10 =	vld [tilespmem:s8+$0x0]  }
0xfd: {  	s12 =	sor.u32 $0x50, s7;
	v7 =	vadd.f32 v7, v12;
	[tilespmem:s7+$0xC040] =	vst v3;
	v3 =	vld [tilespmem:s7+$0xC050]  }
0xfe: {  	v6 =	vadd.f32 v9, v6;
	v9 =	vld [tilespmem:s12+$0x0]  }
0xff: {  	s14 =	sor.u32 $0x10, s4;
	v12 =	vld [tilespmem:s4+$0xC010];
	[tilespmem:s4+$0xC000] =	vst v7  }
0x100: {  	s15 =	sor.u32 $0x30, s3;
	[tilespmem:s3+$0xC020] =	vst v6;
	v6 =	vld [tilespmem:s14+$0x0]  }
0x101: {  	v4 =	vadd.f32 v4, v10;
	v7 =	vld [tilespmem:s15+$0x0]  }
0x102: {  	v13 =	vld [tilespmem:s3+$0xC060]  }
0x103: {  	s16 =	sor.u32 $0x30, s6;
	[tilespmem:s6+$0xC020] =	vst v4;
	v4 =	vld [tilespmem:s6+$0xC030];
	v3 =	vadd.f32 v3, v9  }
0x104: {  	v9 =	vld [tilespmem:s16+$0x0]  }
0x105: {  	s17 =	sor.u32 $0x60, s7;
	v6 =	vadd.f32 v12, v6;
	[tilespmem:s7+$0xC050] =	vst v3;
	v3 =	vld [tilespmem:s7+$0xC060]  }
0x106: {  	v5 =	vadd.f32 v5, v7;
	v7 =	vld [tilespmem:s17+$0x0]  }
0x107: {  	s18 =	sor.u32 $0x20, s4;
	v12 =	vld [tilespmem:s4+$0xC020];
	[tilespmem:s4+$0xC010] =	vst v6  }
0x108: {  	[tilespmem:s3+$0xC030] =	vst v5;
	v5 =	vld [tilespmem:s18+$0x0]  }
0x109: {  	s19 =	sor.u32 $0x40, s3;
	v8 =	vld [tilespmem:s3+$0xC040];
	v4 =	vadd.f32 v4, v9  }
0x10a: {  	v6 =	vld [tilespmem:s19+$0x0]  }
0x10b: {  	s20 =	sor.u32 $0x40, s6;
	[tilespmem:s6+$0xC030] =	vst v4;
	v4 =	vld [tilespmem:s6+$0xC040];
	v3 =	vadd.f32 v3, v7  }
0x10c: {  	v7 =	vld [tilespmem:s20+$0x0]  }
0x10d: {  	s21 =	sor.u32 $0x70, s7;
	v5 =	vadd.f32 v12, v5;
	[tilespmem:s7+$0xC060] =	vst v3;
	v3 =	vld [tilespmem:s7+$0xC070]  }
0x10e: {  	v12 =	vld [tilespmem:s21+$0x0]  }
0x10f: {  	s22 =	sor.u32 $0x30, s4;
	v9 =	vld [tilespmem:s4+$0xC030];
	v6 =	vadd.f32 v8, v6;
	[tilespmem:s4+$0xC020] =	vst v5  }
0x110: {  	v5 =	vld [tilespmem:s22+$0x0]  }
0x111: {  	s23 =	sor.u32 $0x50, s3;
	v10 =	vld [tilespmem:s3+$0xC070];
	[tilespmem:s3+$0xC040] =	vst v6;
	v4 =	vadd.f32 v4, v7  }
0x112: {  	v6 =	vld [tilespmem:s23+$0x0]  }
0x113: {  	s24 =	sor.u32 $0x50, s6;
	[tilespmem:s6+$0xC040] =	vst v4;
	v4 =	vld [tilespmem:s6+$0xC050];
	v3 =	vadd.f32 v3, v12  }
0x114: {  	s2 =	sadd.s32 $0x800, s2;
	v7 =	vld [tilespmem:s24+$0x0]  }
0x115: {  	s8 =	sor.u32 s1, s2;
	v8 =	vld [tilespmem:s4+$0xC040];
	v5 =	vadd.f32 v9, v5;
	[tilespmem:s7+$0xC070] =	vst v3  }
0x116: {  	v3 =	vld [tilespmem:s8+$0x0]  }
0x117: {  	s25 =	sor.u32 $0x40, s4;
	v6 =	vadd.f32 v11, v6;
	[tilespmem:s4+$0xC030] =	vst v5;
	v5 =	vld [tilespmem:s8+$0xC000]  }
0x118: {  	v9 =	vld [tilespmem:s25+$0x0]  }
0x119: {  	s26 =	sor.u32 $0x60, s3;
	v12 =	vld [tilespmem:s4+$0xC050];
	[tilespmem:s3+$0xC050] =	vst v6;
	v4 =	vadd.f32 v4, v7  }
0x11a: {  	v6 =	vld [tilespmem:s26+$0x0]  }
0x11b: {  	s28 =	sor.u32 $0x60, s6;
	[tilespmem:s6+$0xC050] =	vst v4;
	v4 =	vld [tilespmem:s6+$0xC060]  }
0x11c: {  	s15 =	sor.u32 s0, s2;
	v7 =	vld [tilespmem:s28+$0x0];
	v3 =	vadd.f32 v5, v3  }
0x11d: {  	v11 =	vld [tilespmem:s15+$0xC000];
	v5 =	vadd.f32 v8, v9  }
0x11e: {  	s1 =	sor.u32 $0x10, s8;
	v9 =	vld [tilespmem:s8+$0xC010];
	[tilespmem:s8+$0xC000] =	vst v3  }
0x11f: {  	s2 =	sor.u32 $0x50, s4;
	v3 =	vadd.f32 v13, v6;
	[tilespmem:s4+$0xC040] =	vst v5;
	v5 =	vld [tilespmem:s1+$0x0]  }
0x120: {  	v6 =	vld [tilespmem:s2+$0x0]  }
0x121: {  	s5 =	sor.u32 $0x70, s3;
	v8 =	vld [tilespmem:s15+$0xC010];
	[tilespmem:s3+$0xC060] =	vst v3;
	v3 =	vadd.f32 v4, v7  }
0x122: {  	v4 =	vld [tilespmem:s5+$0x0]  }
0x123: {  	s7 =	sor.u32 $0x70, s6;
	v7 =	vld [tilespmem:s6+$0xC070];
	[tilespmem:s6+$0xC060] =	vst v3  }
0x124: {  	v13 =	vld [tilespmem:s7+$0x0];
	v9 =	vadd.f32 v9, v5  }
0x125: {  	v3 =	vld [tilespmem:s15+$0xC020];
	v6 =	vadd.f32 v12, v6  }
0x126: {  	s12 =	sor.u32 $0x20, s8;
	[tilespmem:s8+$0xC010] =	vst v9;
	v9 =	vld [tilespmem:s8+$0xC020]  }
0x127: {  	s14 =	sor.u32 $0x60, s4;
	[tilespmem:s4+$0xC050] =	vst v6;
	v6 =	vld [tilespmem:s12+$0x0]  }
0x128: {  	v4 =	vadd.f32 v10, v4;
	v10 =	vld [tilespmem:s14+$0x0]  }
0x129: {  	v5 =	vld [tilespmem:s15+$0xC030];
	v7 =	vadd.f32 v7, v13  }
0x12a: {  	s16 =	sadd.s32 $0x400, s13;
	v12 =	vld [tilespmem:s4+$0xC070];
	[tilespmem:s3+$0xC070] =	vst v4  }
0x12b: {  	s3 =	sor.u32 s11, s16;
	v4 =	vld [tilespmem:s15+$0x0];
	[tilespmem:s6+$0xC070] =	vst v7  }
0x12c: {  	v7 =	vld [tilespmem:s3+$0x0];
	v9 =	vadd.f32 v9, v6  }
0x12d: {  	v13 =	vld [tilespmem:s3+$0xC000];
	v10 =	vadd.f32 v14, v10  }
0x12e: {  	s17 =	sor.u32 $0x30, s8;
	[tilespmem:s8+$0xC020] =	vst v9;
	v9 =	vld [tilespmem:s8+$0xC030]  }
0x12f: {  	s18 =	sor.u32 $0x70, s4;
	[tilespmem:s4+$0xC060] =	vst v10;
	v10 =	vld [tilespmem:s17+$0x0]  }
0x130: {  	v4 =	vadd.f32 v11, v4;
	v11 =	vld [tilespmem:s18+$0x0]  }
0x131: {  	v18 =	vld [tilespmem:s8+$0xC060]  }
0x132: {  	s19 =	sor.u32 $0x10, s15;
	v6 =	vld [tilespmem:s15+$0xC040];
	[tilespmem:s15+$0xC000] =	vst v4;
	v4 =	vadd.f32 v13, v7  }
0x133: {  	v13 =	vld [tilespmem:s19+$0x0]  }
0x134: {  	s20 =	sor.u32 $0x10, s3;
	[tilespmem:s3+$0xC000] =	vst v4;
	v4 =	vld [tilespmem:s3+$0xC010];
	v7 =	vadd.f32 v9, v10  }
0x135: {  	v10 =	vld [tilespmem:s20+$0x0];
	v11 =	vadd.f32 v12, v11  }
0x136: {  	s21 =	sor.u32 $0x40, s8;
	[tilespmem:s8+$0xC030] =	vst v7;
	v7 =	vld [tilespmem:s8+$0xC040]  }
0x137: {  	[tilespmem:s4+$0xC070] =	vst v11;
	v11 =	vld [tilespmem:s21+$0x0]  }
0x138: {  	s0 =	sor.u32 s9, s16;
	v9 =	vld [tilespmem:s15+$0xC050]  }
0x139: {  	v12 =	vld [tilespmem:s0+$0x0]  }
0x13a: {  	v14 =	vld [tilespmem:s0+$0xC000];
	v4 =	vadd.f32 v4, v10  }
0x13b: {  	v15 =	vld [tilespmem:s0+$0xC020]  }
0x13c: {  	s22 =	sor.u32 $0x20, s3;
	[tilespmem:s3+$0xC010] =	vst v4;
	v4 =	vld [tilespmem:s3+$0xC020];
	v7 =	vadd.f32 v7, v11  }
0x13d: {  	v11 =	vld [tilespmem:s22+$0x0]  }
0x13e: {  	s23 =	sor.u32 $0x50, s8;
	[tilespmem:s8+$0xC040] =	vst v7;
	v7 =	vld [tilespmem:s8+$0xC050]  }
0x13f: {  	v12 =	vadd.f32 v14, v12;
	v14 =	vld [tilespmem:s23+$0x0]  }
0x140: {  	v17 =	vld [tilespmem:s0+$0xC040]  }
0x141: {  	v10 =	vld [tilespmem:s0+$0xC010]  }
0x142: {  	s24 =	sor.u32 $0x10, s0;
	[tilespmem:s0+$0xC000] =	vst v12;
	v12 =	vld [tilespmem:s0+$0xC030];
	v4 =	vadd.f32 v4, v11  }
0x143: {  	v16 =	vld [tilespmem:s24+$0x0]  }
0x144: {  	s26 =	simm.s32 $0x0;
	s25 =	sor.u32 $0x30, s3;
	[tilespmem:s3+$0xC020] =	vst v4;
	v4 =	vld [tilespmem:s3+$0xC030];
	v7 =	vadd.f32 v7, v14  }
0x145: {  	s1 =	smul.u32 $0xC00, s26;
	s22 =	simm.s32 $0x200;
	v11 =	vld [tilespmem:s25+$0x0]  }
0x146: {  	s28 =	sor.u32 $0x60, s8;
	s16 =	sand.u32 $0x300, s22;
	v14 =	vld [tilespmem:s0+$0xC050];
	[tilespmem:s8+$0xC050] =	vst v7  }
0x147: {  	s21 =	sadd.s32 s10, s1;
	s25 =	sor.u32 $0x80, s16;
	v19 =	vld [tilespmem:s28+$0x0];
	[dreg:$0x4] =	wrdreg s10  }
0x148: {  	s2 =	sor.u32 s25, s21;
	v7 =	vld [tilespmem:s0+$0xC060]  }
0x149: {  	v20 =	vld [tilespmem:s2+$0x0]  }
0x14a: {  	s1 =	sor.u32 s16, s21;
	v10 =	vadd.f32 v10, v16;
	v16 =	vld [tilespmem:s2+$0xC000];
	v4 =	vadd.f32 v4, v11  }
0x14b: {  	v22 =	vld [tilespmem:s1+$0x0]  }
0x14c: {  	s4 =	sor.u32 $0x40, s3;
	[tilespmem:s3+$0xC030] =	vst v4;
	v4 =	vld [tilespmem:s3+$0xC040]  }
0x14d: {  	v8 =	vadd.f32 v8, v13;
	[tilespmem:s0+$0xC010] =	vst v10;
	v10 =	vld [tilespmem:s4+$0x0]  }
0x14e: {  	v57 =	vld [tilespmem:s2+$0xC020]  }
0x14f: {  	s10 =	sor.u32 $0x20, s15;
	[tilespmem:s15+$0xC010] =	vst v8;
	v16 =	vadd.f32 v16, v20;
	v20 =	vld [tilespmem:s1+$0xC000]  }
0x150: {  	v23 =	vld [tilespmem:s10+$0x0]  }
0x151: {  	s6 =	sor.u32 $0x10, s2;
	[tilespmem:s2+$0xC000] =	vst v16;
	v16 =	vld [tilespmem:s2+$0xC010]  }
0x152: {  	s5 =	sor.u32 $0x20, s0;
	v13 =	vld [tilespmem:s6+$0x0];
	v4 =	vadd.f32 v4, v10  }
0x153: {  	v21 =	vld [tilespmem:s5+$0x0]  }
0x154: {  	s7 =	sor.u32 $0x50, s3;
	v20 =	vadd.f32 v20, v22;
	[tilespmem:s3+$0xC040] =	vst v4;
	v4 =	vld [tilespmem:s3+$0xC050]  }
0x155: {  	v8 =	vld [tilespmem:s7+$0x0]  }
0x156: {  	s12 =	sor.u32 $0x10, s1;
	[tilespmem:s1+$0xC000] =	vst v20;
	v20 =	vld [tilespmem:s1+$0xC010]  }
0x157: {  	v3 =	vadd.f32 v3, v23;
	v13 =	vadd.f32 v16, v13;
	v16 =	vld [tilespmem:s12+$0x0]  }
0x158: {  	v58 =	vld [tilespmem:s1+$0xC060]  }
0x159: {  	v11 =	vld [tilespmem:s0+$0xC070];
	v15 =	vadd.f32 v15, v21;
	[tilespmem:s15+$0xC020] =	vst v3  }
0x15a: {  	s14 =	sor.u32 $0x20, s2;
	v3 =	vld [tilespmem:s15+$0xC060];
	[tilespmem:s2+$0xC010] =	vst v13  }
0x15b: {  	s19 =	sor.u32 $0x30, s0;
	[tilespmem:s0+$0xC020] =	vst v15;
	v4 =	vadd.f32 v4, v8;
	v8 =	vadd.f32 v18, v19;
	v18 =	vld [tilespmem:s14+$0x0]  }
0x15c: {  	v15 =	vadd.f32 v20, v16;
	v16 =	vld [tilespmem:s19+$0x0]  }
0x15d: {  	s17 =	sor.u32 $0x60, s3;
	[tilespmem:s3+$0xC050] =	vst v4;
	v4 =	vld [tilespmem:s3+$0xC060]  }
0x15e: {  	[tilespmem:s8+$0xC060] =	vst v8;
	v8 =	vld [tilespmem:s17+$0x0]  }
0x15f: {  	v10 =	vld [tilespmem:s8+$0xC070]  }
0x160: {  	s20 =	sor.u32 $0x20, s1;
	v19 =	vld [tilespmem:s1+$0xC020];
	[tilespmem:s1+$0xC010] =	vst v15  }
0x161: {  	s18 =	sor.u32 $0x70, s8;
	v15 =	vadd.f32 v57, v18;
	v18 =	vld [tilespmem:s20+$0x0]  }
0x162: {  	v13 =	vld [tilespmem:s18+$0x0];
	v12 =	vadd.f32 v12, v16  }
0x163: {  	s23 =	sor.u32 $0x30, s2;
	[tilespmem:s2+$0xC020] =	vst v15;
	v15 =	vld [tilespmem:s2+$0xC030];
	v4 =	vadd.f32 v4, v8  }
0x164: {  	v8 =	vld [tilespmem:s23+$0x0];
	[tilespmem:s0+$0xC030] =	vst v12  }
0x165: {  	s26 =	sor.u32 $0x40, s0;
	[tilespmem:s3+$0xC060] =	vst v4;
	v4 =	vld [tilespmem:s3+$0xC070]  }
0x166: {  	s24 =	sor.u32 $0x70, s3;
	v18 =	vadd.f32 v19, v18;
	v19 =	vld [tilespmem:s26+$0x0]  }
0x167: {  	v20 =	vld [tilespmem:s24+$0x0]  }
0x168: {  	s28 =	sor.u32 $0x30, s1;
	v16 =	vld [tilespmem:s1+$0xC030];
	[tilespmem:s1+$0xC020] =	vst v18  }
0x169: {  	v8 =	vadd.f32 v15, v8;
	v15 =	vld [tilespmem:s28+$0x0]  }
0x16a: {  	v12 =	vld [tilespmem:s1+$0xC040]  }
0x16b: {  	s6 =	sor.u32 $0x40, s2;
	s7 =	sadd.s32 $0x800, s13;
	[tilespmem:s2+$0xC030] =	vst v8;
	v8 =	vld [tilespmem:s2+$0xC040];
	v17 =	vadd.f32 v17, v19  }
0x16c: {  	s23 =	sor.u32 s11, s7;
	s11 =	sor.u32 $0x30, s15;
	v4 =	vadd.f32 v4, v20;
	v18 =	vld [tilespmem:s6+$0x0]  }
0x16d: {  	s10 =	sor.u32 $0x50, s0;
	[tilespmem:s0+$0xC040] =	vst v17;
	v17 =	vld [tilespmem:s11+$0x0]  }
0x16e: {  	[tilespmem:s3+$0xC070] =	vst v4;
	v15 =	vadd.f32 v16, v15;
	v16 =	vld [tilespmem:s10+$0x0]  }
0x16f: {  	v4 =	vld [tilespmem:s23+$0x0]  }
0x170: {  	v19 =	vld [tilespmem:s23+$0xC000]  }
0x171: {  	s12 =	sor.u32 $0x40, s1;
	v20 =	vld [tilespmem:s1+$0xC050];
	[tilespmem:s1+$0xC030] =	vst v15;
	v8 =	vadd.f32 v8, v18  }
0x172: {  	v15 =	vld [tilespmem:s12+$0x0]  }
0x173: {  	v5 =	vadd.f32 v5, v17;
	[tilespmem:s2+$0xC040] =	vst v8;
	v8 =	vld [tilespmem:s2+$0xC050]  }
0x174: {  	s13 =	sor.u32 $0x50, s2;
	v14 =	vadd.f32 v14, v16;
	v16 =	vld [tilespmem:s23+$0xC010]  }
0x175: {  	s5 =	sor.u32 $0x40, s15;
	v4 =	vadd.f32 v19, v4;
	v18 =	vld [tilespmem:s13+$0x0];
	[tilespmem:s15+$0xC030] =	vst v5  }
0x176: {  	s17 =	sor.u32 $0x60, s0;
	[tilespmem:s0+$0xC050] =	vst v14;
	v17 =	vld [tilespmem:s5+$0x0]  }
0x177: {  	s14 =	sor.u32 $0x10, s23;
	[tilespmem:s23+$0xC000] =	vst v4;
	v14 =	vld [tilespmem:s17+$0x0]  }
0x178: {  	v19 =	vld [tilespmem:s14+$0x0]  }
0x179: {  	s20 =	sor.u32 s9, s7;
	v4 =	vld [tilespmem:s15+$0xC070];
	v12 =	vadd.f32 v12, v15  }
0x17a: {  	v15 =	vld [tilespmem:s20+$0xC000]  }
0x17b: {  	s18 =	sor.u32 $0x50, s1;
	v59 =	vld [tilespmem:s20+$0xC010];
	[tilespmem:s1+$0xC040] =	vst v12;
	v8 =	vadd.f32 v8, v18  }
0x17c: {  	v12 =	vld [tilespmem:s18+$0x0];
	v7 =	vadd.f32 v7, v14  }
0x17d: {  	s19 =	sor.u32 $0x60, s2;
	v18 =	vld [tilespmem:s2+$0xC060];
	[tilespmem:s2+$0xC050] =	vst v8;
	v16 =	vadd.f32 v16, v19  }
0x17e: {  	v14 =	vld [tilespmem:s19+$0x0];
	[tilespmem:s0+$0xC060] =	vst v7  }
0x17f: {  	[tilespmem:s23+$0xC010] =	vst v16;
	v16 =	vld [tilespmem:s23+$0xC020]  }
0x180: {  	s26 =	sor.u32 $0x70, s0;
	v8 =	vld [tilespmem:s20+$0xC020]  }
0x181: {  	v12 =	vadd.f32 v20, v12;
	v20 =	vld [tilespmem:s26+$0x0]  }
0x182: {  	s24 =	sor.u32 $0x20, s23;
	v7 =	vld [tilespmem:s20+$0xC030]  }
0x183: {  	s28 =	sor.u32 $0x60, s1;
	v19 =	vld [tilespmem:s24+$0x0];
	[tilespmem:s1+$0xC050] =	vst v12;
	v12 =	vadd.f32 v18, v14  }
0x184: {  	v14 =	vld [tilespmem:s28+$0x0]  }
0x185: {  	[tilespmem:s2+$0xC060] =	vst v12;
	v12 =	vld [tilespmem:s2+$0xC070]  }
0x186: {  	s4 =	sor.u32 $0x70, s2;
	v11 =	vadd.f32 v11, v20;
	v20 =	vld [tilespmem:s23+$0xC050]  }
0x187: {  	v5 =	vld [tilespmem:s4+$0x0]  }
0x188: {  	v16 =	vadd.f32 v16, v19;
	v19 =	vld [tilespmem:s1+$0xC070];
	[tilespmem:s0+$0xC070] =	vst v11  }
0x189: {  	v14 =	vadd.f32 v58, v14;
	v11 =	vld [tilespmem:s20+$0x0]  }
0x18a: {  	s6 =	sor.u32 $0x30, s23;
	[tilespmem:s23+$0xC020] =	vst v16;
	v16 =	vld [tilespmem:s23+$0xC030]  }
0x18b: {  	s7 =	sor.u32 $0x70, s1;
	v18 =	vld [tilespmem:s6+$0x0];
	[tilespmem:s1+$0xC060] =	vst v14  }
0x18c: {  	v12 =	vadd.f32 v12, v5;
	v14 =	vld [tilespmem:s7+$0x0]  }
0x18d: {  	s9 =	sadd.s32 $0x400, s21;
	v5 =	vld [tilespmem:s20+$0xC040]  }
0x18e: {  	s11 =	sor.u32 s25, s9;
	v6 =	vadd.f32 v6, v17;
	[tilespmem:s2+$0xC070] =	vst v12;
	v11 =	vadd.f32 v15, v11;
	v15 =	vld [tilespmem:s23+$0xC040]  }
0x18f: {  	v12 =	vld [tilespmem:s11+$0x0]  }
0x190: {  	s10 =	sor.u32 $0x50, s15;
	[tilespmem:s15+$0xC040] =	vst v6;
	v16 =	vadd.f32 v16, v18;
	v6 =	vld [tilespmem:s11+$0xC000]  }
0x191: {  	s13 =	sor.u32 $0x10, s20;
	v18 =	vld [tilespmem:s10+$0x0];
	[tilespmem:s20+$0xC000] =	vst v11  }
0x192: {  	s12 =	sor.u32 $0x40, s23;
	[tilespmem:s23+$0xC030] =	vst v16;
	v14 =	vadd.f32 v19, v14;
	v16 =	vld [tilespmem:s13+$0x0]  }
0x193: {  	v11 =	vld [tilespmem:s12+$0x0]  }
0x194: {  	s30 =	sor.u32 s16, s9;
	v19 =	vld [tilespmem:s11+$0xC010];
	[tilespmem:s1+$0xC070] =	vst v14  }
0x195: {  	v14 =	vld [tilespmem:s30+$0x0]  }
0x196: {  	v6 =	vadd.f32 v6, v12;
	v12 =	vld [tilespmem:s30+$0xC000]  }
0x197: {  	v17 =	vld [tilespmem:s30+$0xC010]  }
0x198: {  	v13 =	vadd.f32 v10, v13;
	s14 =	sor.u32 $0x10, s11;
	v10 =	vld [tilespmem:s30+$0xC060];
	[tilespmem:s11+$0xC000] =	vst v6;
	v6 =	vadd.f32 v15, v11  }
0x199: {  	v11 =	vld [tilespmem:s14+$0x0]  }
0x19a: {  	s17 =	sor.u32 $0x50, s23;
	v18 =	vadd.f32 v9, v18;
	v9 =	vld [tilespmem:s30+$0xC070];
	[tilespmem:s23+$0xC040] =	vst v6  }
0x19b: {  	v60 =	vld [tilespmem:s17+$0x0]  }
0x19c: {  	[tilespmem:s15+$0xC050] =	vst v18;
	v18 =	vld [tilespmem:s11+$0xC030];
	v12 =	vadd.f32 v12, v14  }
0x19d: {  	v15 =	vld [tilespmem:s30+$0xC020]  }
0x19e: {  	s18 =	sor.u32 $0x10, s30;
	v6 =	vld [tilespmem:s20+$0xC050];
	[tilespmem:s30+$0xC000] =	vst v12;
	v11 =	vadd.f32 v19, v11  }
0x19f: {  	v61 =	vld [tilespmem:s18+$0x0]  }
0x1a0: {  	s19 =	sor.u32 $0x20, s11;
	v19 =	vld [tilespmem:s11+$0xC020];
	[tilespmem:s11+$0xC010] =	vst v11;
	v20 =	vadd.f32 v20, v60  }
0x1a1: {  	v62 =	vld [tilespmem:s19+$0x0]  }
0x1a2: {  	s24 =	sor.u32 $0x60, s23;
	v16 =	vadd.f32 v59, v16;
	[tilespmem:s23+$0xC050] =	vst v20;
	v20 =	vld [tilespmem:s23+$0xC060]  }
0x1a3: {  	s29 =	sor.u32 $0x70, s20;
	[tilespmem:s8+$0xC070] =	vst v13;
	v63 =	vld [tilespmem:s24+$0x0]  }
0x1a4: {  	s31 =	sor.u32 $0x70, s30;
	s8 =	sor.u32 $0x30, s20;
	s28 =	sor.u32 $0x20, s20;
	[tilespmem:s20+$0xC010] =	vst v16;
	v14 =	vld [tilespmem:s30+$0xC030];
	v17 =	vadd.f32 v17, v61  }
0x1a5: {  	s9 =	simm.s32 $0x4;
	s3 =	sor.u32 $0x30, s30;
	s5 =	sor.u32 $0x60, s15;
	v16 =	vld [tilespmem:s28+$0x0]  }
0x1a6: {  	s26 =	sor.u32 $0x20, s30;
	s0 =	sor.u32 $0x30, s11;
	s6 =	sor.u32 $0x40, s30;
	v12 =	vld [tilespmem:s30+$0xC040];
	[tilespmem:s30+$0xC010] =	vst v17;
	v13 =	vadd.f32 v19, v62  }
0x1a7: {  	s2 =	sor.u32 $0x60, s30;
	s10 =	sor.u32 $0x50, s20;
	s13 =	sor.u32 $0x60, s20;
	v17 =	vld [tilespmem:s26+$0x0]  }
0x1a8: {  	s12 =	sor.u32 $0x40, s20;
	s1 =	sor.u32 $0x50, s30;
	v11 =	vld [tilespmem:s30+$0xC050];
	s24 =	sor.u32 $0x70, s15;
	[tilespmem:s11+$0xC020] =	vst v13;
	v13 =	vadd.f32 v20, v63  }
.LBB2_7:
0x1a9: {  	_ =	sdelay $0x2  }
0x1aa: {  	s9 =	sadd.s32 $0x2, s9;
	v19 =	vld [tilespmem:s0+$0x0];
	v15 =	vadd.f32 v15, v17  }
0x1ab: {  	s4 =	sor.u32 $0x70, s23;
	s17 =	sshrl.u32 s9, $0x3;
	[tilespmem:s23+$0xC060] =	vst v13;
	v13 =	vld [tilespmem:s23+$0xC070]  }
0x1ac: {  	s22 =	sadd.s32 $0x100, s22;
	s0 =	smul.u32 $0xC00, s17;
	v17 =	vld [tilespmem:s4+$0x0];
	[tilespmem:s30+$0xC020] =	vst v15  }
0x1ad: {  	s19 =	rddreg [dreg:$0x4];
	s14 =	sand.u32 $0x300, s22;
	v8 =	vadd.f32 v8, v16;
	v15 =	vld [tilespmem:s5+$0x0]  }
0x1ae: {  	s18 =	smov.u32 s13;
	s26 =	sor.u32 $0x80, s14;
	s13 =	sadd.s32 s19, s0;
	v16 =	vld [tilespmem:s3+$0x0]  }
0x1af: {  	s3 =	sor.u32 s26, s13;
	[tilespmem:s20+$0xC020] =	vst v8;
	v8 =	vld [tilespmem:s20+$0xC060]  }
0x1b0: {  	v20 =	vld [tilespmem:s3+$0x0]  }
0x1b1: {  	v18 =	vadd.f32 v18, v19;
	v19 =	vld [tilespmem:s3+$0xC000];
	_ =	sdelay $0x1  }
0x1b2: {  	s17 =	smov.u32 s24;
	s24 =	sor.u32 $0x40, s11;
	[tilespmem:s11+$0xC030] =	vst v18;
	v13 =	vadd.f32 v13, v17;
	v17 =	vld [tilespmem:s11+$0xC040]  }
0x1b3: {  	s0 =	sor.u32 s14, s13;
	v18 =	vadd.f32 v3, v15;
	v15 =	vld [tilespmem:s24+$0x0]  }
0x1b4: {  	v14 =	vadd.f32 v14, v16;
	[tilespmem:s23+$0xC070] =	vst v13;
	v13 =	vld [tilespmem:s0+$0x0]  }
0x1b5: {  	v3 =	vmov v8;
	v8 =	vld [tilespmem:s0+$0xC000];
	v16 =	vadd.f32 v19, v20;
	[tilespmem:s15+$0xC060] =	vst v18  }
0x1b6: {  	[tilespmem:s30+$0xC030] =	vst v14  }
0x1b7: {  	[tilespmem:s3+$0xC000] =	vst v16;
	v16 =	vld [tilespmem:s3+$0xC010]  }
0x1b8: {  	v14 =	vld [tilespmem:s0+$0xC010]  }
0x1b9: {  	s24 =	sor.u32 $0x10, s3;
	v18 =	vld [tilespmem:s0+$0xC020];
	v15 =	vadd.f32 v17, v15  }
0x1ba: {  	v17 =	vld [tilespmem:s24+$0x0];
	v8 =	vadd.f32 v8, v13  }
0x1bb: {  	s24 =	sor.u32 $0x50, s11;
	v13 =	vld [tilespmem:s11+$0xC050];
	[tilespmem:s11+$0xC040] =	vst v15  }
0x1bc: {  	[dreg:$0x5] =	wrdreg s18;
	s18 =	sor.u32 $0x10, s0;
	[tilespmem:s0+$0xC000] =	vst v8;
	v19 =	vld [tilespmem:s24+$0x0]  }
0x1bd: {  	v20 =	vld [tilespmem:s18+$0x0]  }
0x1be: {  	v21 =	vld [tilespmem:s0+$0xC040]  }
0x1bf: {  	v8 =	vld [tilespmem:s0+$0xC030];
	v16 =	vadd.f32 v16, v17  }
0x1c0: {  	v15 =	vld [tilespmem:s0+$0xC050]  }
0x1c1: {  	s23 =	sor.u32 $0x20, s3;
	[tilespmem:s3+$0xC010] =	vst v16;
	v16 =	vld [tilespmem:s3+$0xC020];
	v13 =	vadd.f32 v13, v19  }
0x1c2: {  	v17 =	vld [tilespmem:s23+$0x0];
	v14 =	vadd.f32 v14, v20  }
0x1c3: {  	s24 =	sor.u32 $0x60, s11;
	v19 =	vld [tilespmem:s11+$0xC060];
	[tilespmem:s11+$0xC050] =	vst v13  }
0x1c4: {  	s19 =	smov.u32 s16;
	s16 =	sor.u32 $0x20, s0;
	[tilespmem:s0+$0xC010] =	vst v14;
	v20 =	vld [tilespmem:s24+$0x0]  }
0x1c5: {  	v22 =	vld [tilespmem:s16+$0x0]  }
0x1c6: {  	v14 =	vld [tilespmem:s0+$0xC060]  }
0x1c7: {  	v16 =	vadd.f32 v16, v17;
	v17 =	vld [tilespmem:s6+$0x0]  }
0x1c8: {  	v13 =	vld [tilespmem:s0+$0xC070]  }
0x1c9: {  	s23 =	sor.u32 $0x30, s3;
	[tilespmem:s3+$0xC020] =	vst v16;
	v16 =	vld [tilespmem:s3+$0xC030];
	v19 =	vadd.f32 v19, v20  }
0x1ca: {  	v20 =	vld [tilespmem:s23+$0x0];
	v18 =	vadd.f32 v18, v22  }
0x1cb: {  	s24 =	sor.u32 $0x70, s11;
	[tilespmem:s11+$0xC060] =	vst v19;
	v19 =	vld [tilespmem:s11+$0xC070]  }
0x1cc: {  	[tilespmem:s0+$0xC020] =	vst v18;
	v12 =	vadd.f32 v12, v17;
	v62 =	vld [tilespmem:s24+$0x0]  }
0x1cd: {  	s4 =	smov.u32 s12;
	s12 =	sor.u32 $0x30, s0;
	v17 =	vld [tilespmem:s8+$0x0]  }
0x1ce: {  	v18 =	vld [tilespmem:s12+$0x0];
	[tilespmem:s30+$0xC040] =	vst v12  }
0x1cf: {  	v16 =	vadd.f32 v16, v20;
	v12 =	vld [tilespmem:s17+$0x0]  }
0x1d0: {  	v20 =	vld [tilespmem:s1+$0x0]  }
0x1d1: {  	s16 =	sor.u32 $0x40, s3;
	[tilespmem:s3+$0xC030] =	vst v16;
	v16 =	vld [tilespmem:s3+$0xC040];
	v19 =	vadd.f32 v19, v62  }
0x1d2: {  	s17 =	sadd.s32 $0x800, s21;
	v63 =	vld [tilespmem:s16+$0x0];
	v7 =	vadd.f32 v7, v17  }
0x1d3: {  	s23 =	sor.u32 s25, s17;
	v8 =	vadd.f32 v8, v18;
	v17 =	vld [tilespmem:s20+$0xC070];
	[tilespmem:s11+$0xC070] =	vst v19  }
0x1d4: {  	[tilespmem:s20+$0xC030] =	vst v7;
	v4 =	vadd.f32 v4, v12;
	v18 =	vld [tilespmem:s23+$0x0]  }
0x1d5: {  	s5 =	sor.u32 $0x40, s0;
	v7 =	vadd.f32 v11, v20;
	[tilespmem:s0+$0xC030] =	vst v8;
	v8 =	vld [tilespmem:s23+$0xC000]  }
0x1d6: {  	v11 =	vld [tilespmem:s5+$0x0];
	[tilespmem:s15+$0xC070] =	vst v4  }
0x1d7: {  	[tilespmem:s30+$0xC050] =	vst v7  }
0x1d8: {  	s18 =	sor.u32 s19, s17;
	v12 =	vadd.f32 v16, v63;
	v7 =	vld [tilespmem:s2+$0x0]  }
0x1d9: {  	v16 =	vld [tilespmem:s18+$0xC000]  }
0x1da: {  	s25 =	smov.u32 s26;
	s26 =	sor.u32 $0x50, s3;
	[tilespmem:s3+$0xC040] =	vst v12;
	v12 =	vld [tilespmem:s3+$0xC050]  }
0x1db: {  	s15 =	smov.u32 s20;
	s20 =	smov.u32 s18;
	v4 =	vmov v17;
	v17 =	vld [tilespmem:s26+$0x0];
	v8 =	vadd.f32 v8, v18  }
0x1dc: {  	v18 =	vld [tilespmem:s20+$0xC010];
	v11 =	vadd.f32 v21, v11  }
0x1dd: {  	s5 =	sor.u32 $0x10, s23;
	v19 =	vld [tilespmem:s23+$0xC010];
	[tilespmem:s23+$0xC000] =	vst v8;
	v7 =	vadd.f32 v10, v7  }
0x1de: {  	[dreg:$0x6] =	wrdreg s10;
	s10 =	sor.u32 $0x50, s0;
	[tilespmem:s0+$0xC040] =	vst v11;
	v10 =	vld [tilespmem:s5+$0x0]  }
0x1df: {  	v11 =	vld [tilespmem:s10+$0x0];
	[tilespmem:s30+$0xC060] =	vst v7  }
0x1e0: {  	v12 =	vadd.f32 v12, v17;
	v17 =	vld [tilespmem:s31+$0x0]  }
0x1e1: {  	v8 =	vld [tilespmem:s20+$0xC020]  }
0x1e2: {  	s10 =	sor.u32 $0x60, s3;
	[tilespmem:s3+$0xC050] =	vst v12;
	v12 =	vld [tilespmem:s3+$0xC060]  }
0x1e3: {  	v20 =	vld [tilespmem:s10+$0x0];
	v10 =	vadd.f32 v19, v10  }
0x1e4: {  	v7 =	vld [tilespmem:s20+$0xC030];
	v11 =	vadd.f32 v15, v11  }
0x1e5: {  	s12 =	sor.u32 $0x20, s23;
	[tilespmem:s23+$0xC010] =	vst v10;
	v10 =	vld [tilespmem:s23+$0xC020];
	v9 =	vadd.f32 v9, v17  }
0x1e6: {  	s7 =	sor.u32 $0x60, s0;
	[tilespmem:s0+$0xC050] =	vst v11;
	v11 =	vld [tilespmem:s12+$0x0]  }
0x1e7: {  	v15 =	vld [tilespmem:s7+$0x0];
	[tilespmem:s30+$0xC070] =	vst v9  }
0x1e8: {  	v12 =	vadd.f32 v12, v20;
	v9 =	vld [tilespmem:s4+$0x0]  }
0x1e9: {  	v17 =	vld [tilespmem:s20+$0x0]  }
0x1ea: {  	s24 =	smov.u32 s29;
	s21 =	smov.u32 s13;
	s17 =	sor.u32 $0x70, s3;
	[tilespmem:s3+$0xC060] =	vst v12;
	v12 =	vld [tilespmem:s3+$0xC070]  }
0x1eb: {  	s1 =	sor.u32 $0x10, s18;
	s8 =	sor.u32 $0x30, s18;
	s19 =	sor.u32 $0x40, s18;
	v19 =	vld [tilespmem:s17+$0x0];
	v10 =	vadd.f32 v10, v11  }
0x1ec: {  	s6 =	sor.u32 $0x50, s18;
	s13 =	sor.u32 $0x60, s18;
	s29 =	sor.u32 $0x70, s18;
	v11 =	vadd.f32 v14, v15;
	v14 =	vld [tilespmem:s20+$0xC040]  }
0x1ed: {  	s16 =	smov.u32 s14;
	s14 =	sor.u32 $0x20, s18;
	s18 =	sor.u32 $0x30, s23;
	[tilespmem:s23+$0xC020] =	vst v10;
	v10 =	vld [tilespmem:s23+$0xC030];
	v5 =	vadd.f32 v5, v9  }
0x1ee: {  	s28 =	sor.u32 $0x70, s0;
	[tilespmem:s0+$0xC060] =	vst v11;
	v9 =	vadd.f32 v16, v17;
	v11 =	vld [tilespmem:s18+$0x0]  }
0x1ef: {  	v15 =	vld [tilespmem:s28+$0x0];
	[tilespmem:s15+$0xC040] =	vst v5  }
0x1f0: {  	s12 =	smov.u32 s19;
	s19 =	rddreg [dreg:$0x6];
	[tilespmem:s20+$0xC000] =	vst v9  }
0x1f1: {  	v12 =	vadd.f32 v12, v19;
	v9 =	vld [tilespmem:s19+$0x0]  }
0x1f2: {  	s26 =	sadd.s32 $0x400, s21;
	v16 =	vld [tilespmem:s1+$0x0]  }
0x1f3: {  	s11 =	sor.u32 s25, s26;
	[tilespmem:s3+$0xC070] =	vst v12;
	v12 =	vld [tilespmem:s20+$0xC050]  }
0x1f4: {  	v5 =	vmov v14;
	v14 =	vld [tilespmem:s11+$0x0];
	v10 =	vadd.f32 v10, v11  }
0x1f5: {  	v11 =	vadd.f32 v13, v15;
	v13 =	vld [tilespmem:s11+$0xC000]  }
0x1f6: {  	s17 =	sor.u32 $0x40, s23;
	[tilespmem:s23+$0xC030] =	vst v10;
	v10 =	vld [tilespmem:s23+$0xC040]  }
0x1f7: {  	s30 =	sor.u32 s16, s26;
	v15 =	vadd.f32 v6, v9;
	[tilespmem:s0+$0xC070] =	vst v11;
	v9 =	vadd.f32 v18, v16;
	v11 =	vld [tilespmem:s17+$0x0]  }
0x1f8: {  	v16 =	vld [tilespmem:s30+$0x0]  }
0x1f9: {  	v6 =	vmov v12;
	v12 =	vld [tilespmem:s30+$0xC000];
	[tilespmem:s20+$0xC010] =	vst v9  }
0x1fa: {  	[tilespmem:s15+$0xC050] =	vst v15;
	v9 =	vld [tilespmem:s30+$0xC010];
	v13 =	vadd.f32 v13, v14  }
0x1fb: {  	v15 =	vld [tilespmem:s30+$0xC020]  }
0x1fc: {  	s18 =	sor.u32 $0x10, s11;
	[tilespmem:s11+$0xC000] =	vst v13;
	v13 =	vld [tilespmem:s11+$0xC010];
	v10 =	vadd.f32 v10, v11  }
0x1fd: {  	v11 =	vld [tilespmem:s18+$0x0]  }
0x1fe: {  	s19 =	sor.u32 $0x50, s23;
	[tilespmem:s23+$0xC040] =	vst v10;
	v10 =	vld [tilespmem:s23+$0xC050]  }
0x1ff: {  	v12 =	vadd.f32 v12, v16;
	v16 =	vld [tilespmem:s19+$0x0]  }
0x200: {  	v14 =	vld [tilespmem:s30+$0xC030]  }
0x201: {  	s28 =	sor.u32 $0x10, s30;
	[tilespmem:s30+$0xC000] =	vst v12;
	v12 =	vld [tilespmem:s30+$0xC040]  }
0x202: {  	v17 =	vld [tilespmem:s28+$0x0];
	v13 =	vadd.f32 v13, v11  }
0x203: {  	v11 =	vld [tilespmem:s30+$0xC050]  }
0x204: {  	s26 =	sor.u32 $0x20, s11;
	[tilespmem:s11+$0xC010] =	vst v13;
	v13 =	vld [tilespmem:s11+$0xC020];
	v10 =	vadd.f32 v10, v16  }
0x205: {  	v16 =	vld [tilespmem:s26+$0x0]  }
0x206: {  	s28 =	sor.u32 $0x60, s23;
	v19 =	vld [tilespmem:s23+$0xC060];
	[tilespmem:s23+$0xC050] =	vst v10  }
0x207: {  	p0 =	slt.u32 s9, $0x3E;
	v9 =	vadd.f32 v9, v17;
	v20 =	vld [tilespmem:s28+$0x0]  }
.Ltmp2:
0x208: {  	v10 =	vld [tilespmem:s30+$0xC060];
	(pc) =	sbr.rel @p0 .LBB2_7-.Ltmp2, $4  }
0x209: {  	[tilespmem:s30+$0xC010] =	vst v9;
	v9 =	vld [tilespmem:s30+$0xC070]  }
0x20a: {  	s5 =	rddreg [dreg:$0x5];
	s10 =	smov.u32 s6;
	s4 =	sor.u32 $0x20, s30;
	v18 =	vld [tilespmem:s11+$0xC030];
	v13 =	vadd.f32 v13, v16  }
0x20b: {  	s6 =	sor.u32 $0x40, s30;
	s2 =	sor.u32 $0x60, s30;
	s31 =	sor.u32 $0x70, s30;
	v17 =	vld [tilespmem:s4+$0x0]  }
0x20c: {  	s1 =	sor.u32 $0x50, s30;
	s3 =	sor.u32 $0x30, s30;
	s0 =	sor.u32 $0x30, s11;
	v16 =	vld [tilespmem:s14+$0x0];
	[tilespmem:s11+$0xC020] =	vst v13;
	v13 =	vadd.f32 v19, v20  }
0x20d: {  	_ =	sdelay $0x2  }
0x20e: {  	v19 =	vld [tilespmem:s0+$0x0];
	v15 =	vadd.f32 v15, v17;
	_ =	sdelay $0x1  }
0x20f: {  	[tilespmem:s30+$0xC020] =	vst v15  }
0x210: {  	v24 =	vld [tilespmem:s3+$0x0];
	_ =	sdelay $0x1  }
0x211: {  	v18 =	vadd.f32 v18, v19;
	_ =	sdelay $0x1  }
0x212: {  	s17 =	sor.u32 $0x40, s11;
	v63 =	vld [tilespmem:s11+$0xC040];
	[tilespmem:s11+$0xC030] =	vst v18  }
0x213: {  	v21 =	vld [tilespmem:s17+$0x0];
	v14 =	vadd.f32 v14, v24;
	_ =	sdelay $0x1  }
0x214: {  	[tilespmem:s30+$0xC030] =	vst v14  }
0x215: {  	v14 =	vld [tilespmem:s6+$0x0];
	_ =	sdelay $0x1  }
0x216: {  	v18 =	vadd.f32 v63, v21;
	_ =	sdelay $0x1  }
0x217: {  	s18 =	sor.u32 $0x50, s11;
	v23 =	vld [tilespmem:s11+$0xC050];
	[tilespmem:s11+$0xC040] =	vst v18  }
0x218: {  	v22 =	vld [tilespmem:s18+$0x0];
	v12 =	vadd.f32 v12, v14;
	_ =	sdelay $0x1  }
0x219: {  	[tilespmem:s30+$0xC040] =	vst v12  }
0x21a: {  	v12 =	vld [tilespmem:s1+$0x0];
	_ =	sdelay $0x1  }
0x21b: {  	v15 =	vadd.f32 v23, v22;
	_ =	sdelay $0x1  }
0x21c: {  	s19 =	sor.u32 $0x60, s11;
	v25 =	vld [tilespmem:s11+$0xC060];
	[tilespmem:s11+$0xC050] =	vst v15  }
0x21d: {  	v15 =	vld [tilespmem:s19+$0x0];
	v11 =	vadd.f32 v11, v12;
	_ =	sdelay $0x1  }
0x21e: {  	[tilespmem:s30+$0xC050] =	vst v11  }
0x21f: {  	v11 =	vld [tilespmem:s2+$0x0];
	_ =	sdelay $0x1  }
0x220: {  	v26 =	vadd.f32 v25, v15;
	_ =	sdelay $0x1  }
0x221: {  	s22 =	sor.u32 $0x70, s11;
	v27 =	vld [tilespmem:s11+$0xC070];
	s26 =	sadd.s32 $0x800, s21;
	[tilespmem:s11+$0xC060] =	vst v26  }
0x222: {  	s0 =	sor.u32 s16, s26;
	v14 =	vld [tilespmem:s22+$0x0];
	v10 =	vadd.f32 v10, v11  }
0x223: {  	v30 =	vld [tilespmem:s0+$0xC000]  }
0x224: {  	v31 =	vld [tilespmem:s0+$0xC010];
	[tilespmem:s30+$0xC060] =	vst v10  }
0x225: {  	v33 =	vld [tilespmem:s31+$0x0];
	_ =	sdelay $0x1  }
0x226: {  	v28 =	vadd.f32 v27, v14;
	_ =	sdelay $0x1  }
0x227: {  	s28 =	sor.u32 s25, s26;
	v35 =	vld [tilespmem:s0+$0xC020];
	[tilespmem:s11+$0xC070] =	vst v28  }
0x228: {  	v12 =	vld [tilespmem:s28+$0x0];
	v9 =	vadd.f32 v9, v33  }
0x229: {  	v29 =	vld [tilespmem:s28+$0xC000]  }
0x22a: {  	v36 =	vld [tilespmem:s0+$0xC030];
	[tilespmem:s30+$0xC070] =	vst v9  }
0x22b: {  	v9 =	vld [tilespmem:s0+$0x0];
	_ =	sdelay $0x2  }
0x22c: {  	v32 =	vadd.f32 v29, v12;
	_ =	sdelay $0x1  }
0x22d: {  	s31 =	sor.u32 $0x10, s28;
	v34 =	vld [tilespmem:s28+$0xC010];
	[tilespmem:s28+$0xC000] =	vst v32;
	v9 =	vadd.f32 v30, v9  }
0x22e: {  	v10 =	vld [tilespmem:s31+$0x0]  }
0x22f: {  	s4 =	sor.u32 $0x10, s0;
	[tilespmem:s0+$0xC000] =	vst v9  }
0x230: {  	v9 =	vld [tilespmem:s4+$0x0];
	_ =	sdelay $0x2  }
0x231: {  	v10 =	vadd.f32 v34, v10;
	_ =	sdelay $0x1  }
0x232: {  	s3 =	sor.u32 $0x20, s28;
	v37 =	vld [tilespmem:s28+$0xC020];
	[tilespmem:s28+$0xC010] =	vst v10;
	v9 =	vadd.f32 v31, v9  }
0x233: {  	v10 =	vld [tilespmem:s3+$0x0]  }
0x234: {  	s7 =	sor.u32 $0x20, s0;
	[tilespmem:s0+$0xC010] =	vst v9  }
0x235: {  	v9 =	vld [tilespmem:s7+$0x0]  }
0x236: {  	v8 =	vadd.f32 v8, v16;
	_ =	sdelay $0x1  }
0x237: {  	[tilespmem:s20+$0xC020] =	vst v8;
	v10 =	vadd.f32 v37, v10  }
0x238: {  	v40 =	vld [tilespmem:s8+$0x0]  }
0x239: {  	s6 =	sor.u32 $0x30, s28;
	v38 =	vld [tilespmem:s28+$0xC030];
	[tilespmem:s28+$0xC020] =	vst v10;
	v39 =	vadd.f32 v35, v9  }
0x23a: {  	v10 =	vld [tilespmem:s6+$0x0]  }
0x23b: {  	s9 =	sor.u32 $0x30, s0;
	[tilespmem:s0+$0xC020] =	vst v39  }
0x23c: {  	v8 =	vld [tilespmem:s9+$0x0]  }
0x23d: {  	v7 =	vadd.f32 v7, v40;
	_ =	sdelay $0x1  }
0x23e: {  	[tilespmem:s20+$0xC030] =	vst v7;
	v10 =	vadd.f32 v38, v10  }
0x23f: {  	v45 =	vld [tilespmem:s12+$0x0]  }
0x240: {  	s11 =	sor.u32 $0x40, s28;
	v42 =	vld [tilespmem:s28+$0xC040];
	[tilespmem:s28+$0xC030] =	vst v10;
	v44 =	vadd.f32 v36, v8  }
0x241: {  	v10 =	vld [tilespmem:s11+$0x0]  }
0x242: {  	s12 =	sor.u32 $0x40, s0;
	v46 =	vld [tilespmem:s0+$0xC040];
	[tilespmem:s0+$0xC030] =	vst v44  }
0x243: {  	v48 =	vld [tilespmem:s12+$0x0]  }
0x244: {  	v5 =	vadd.f32 v5, v45;
	_ =	sdelay $0x1  }
0x245: {  	[tilespmem:s20+$0xC040] =	vst v5;
	v47 =	vadd.f32 v42, v10  }
0x246: {  	v5 =	vld [tilespmem:s10+$0x0]  }
0x247: {  	s14 =	sor.u32 $0x50, s28;
	v49 =	vld [tilespmem:s28+$0xC050];
	[tilespmem:s28+$0xC040] =	vst v47;
	v9 =	vadd.f32 v46, v48  }
0x248: {  	v7 =	vld [tilespmem:s14+$0x0]  }
0x249: {  	s16 =	sor.u32 $0x50, s0;
	v50 =	vld [tilespmem:s0+$0xC050];
	[tilespmem:s0+$0xC040] =	vst v9  }
0x24a: {  	v9 =	vld [tilespmem:s16+$0x0]  }
0x24b: {  	v41 =	vld [tilespmem:s20+$0xC060];
	v5 =	vadd.f32 v6, v5  }
0x24c: {  	v51 =	vld [tilespmem:s5+$0x0]  }
0x24d: {  	v43 =	vld [tilespmem:s20+$0xC070];
	[tilespmem:s20+$0xC050] =	vst v5;
	v7 =	vadd.f32 v49, v7  }
0x24e: {  	v54 =	vld [tilespmem:s13+$0x0]  }
0x24f: {  	s17 =	sor.u32 $0x60, s28;
	v52 =	vld [tilespmem:s28+$0xC060];
	[tilespmem:s28+$0xC050] =	vst v7;
	v53 =	vadd.f32 v50, v9  }
0x250: {  	v7 =	vld [tilespmem:s17+$0x0]  }
0x251: {  	v3 =	vadd.f32 v3, v51;
	s18 =	sor.u32 $0x60, s0;
	v55 =	vld [tilespmem:s0+$0xC060];
	[tilespmem:s0+$0xC050] =	vst v53  }
0x252: {  	v5 =	vld [tilespmem:s18+$0x0]  }
0x253: {  	v59 =	vld [tilespmem:s23+$0xC070];
	[tilespmem:s15+$0xC060] =	vst v3  }
0x254: {  	[tilespmem:s23+$0xC060] =	vst v13;
	v3 =	vld [tilespmem:s24+$0x0];
	s19 =	sor.u32 $0x70, s23  }
0x255: {  	v56 =	vld [tilespmem:s19+$0x0];
	v6 =	vadd.f32 v52, v7  }
0x256: {  	v57 =	vadd.f32 v41, v54;
	v60 =	vld [tilespmem:s28+$0xC070]  }
0x257: {  	s21 =	sor.u32 $0x70, s28;
	v61 =	vld [tilespmem:s0+$0xC070];
	[tilespmem:s28+$0xC060] =	vst v6;
	v5 =	vadd.f32 v55, v5  }
0x258: {  	[tilespmem:s20+$0xC060] =	vst v57;
	v58 =	vld [tilespmem:s21+$0x0]  }
0x259: {  	s22 =	sor.u32 $0x70, s0;
	v6 =	vld [tilespmem:s29+$0x0];
	[tilespmem:s0+$0xC060] =	vst v5  }
0x25a: {  	v5 =	vld [tilespmem:s22+$0x0]  }
0x25b: {  	v7 =	vadd.f32 v59, v56  }
0x25c: {  	v3 =	vadd.f32 v4, v3  }
0x25d: {  	v62 =	vadd.f32 v60, v58;
	s24 =	rddreg [dreg:$0x10];
	[tilespmem:s23+$0xC070] =	vst v7  }
0x25e: {  	s25 =	rddreg [dreg:$0x7];
	[tilespmem:s15+$0xC070] =	vst v3;
	v3 =	vadd.f32 v43, v6  }
0x25f: {  	[tilespmem:s28+$0xC070] =	vst v62;
	v63 =	vadd.f32 v61, v5  }
0x260: {  	s2 =	sshll.u32 s24, $0x6;
	[tilespmem:s20+$0xC070] =	vst v3  }
0x261: {  	s2 =	sadd.s32 s25, s2;
	[tilespmem:s0+$0xC070] =	vst v63  }
0x262: {  	s2 =	sshrl.u32 s2, $0x3;
	s31 =	rddreg [dreg:$0xf]  }
0x263: {  	s26 =	smul.u32 $0x180, s2;
	p0 =	sne.s32 s31, $0x20  }
.Ltmp3:
0x264: {  	s29 =	rddreg [dreg:$0x2];
	(pc) =	sbr.rel @p0 .LBB2_2-.Ltmp3, $4  }
0x265: {  	s0 =	rddreg [dreg:$0x4]  }
0x266: {  	s30 =	simm.s32 $0x0;
	s1 =	sadd.s32 s29, s26;
	s28 =	rddreg [dreg:$0x11]  }
0x267: {  	s0 =	sadd.s32 $0xC000, s0;
	s2 =	sadd.s32 $0x5, s28;
	s9 =	smov.u32 s31  }
0x268: {  	[hbm4b:s1+s30] =	stream.linear.scatter [tilespmem:s0], [sflag:s2], $0x6000, $0x38;
	[tilespmem:$0x18100] =	vst v63  }
0x269: {  	s0 =	simm.s32 $0x5  }
0x26a: {  	_ =	swait.ge [sflag:s0], $0x6000  }
0x26b: {  	[sflag:s0] =	ssyncset.done $0x0  }
0x26c: {  	s1 =	simm.s32 $0x6;
	[sflag:s0] =	ssyncadd.s32 $0xFFFFA000  }
0x26d: {  	_ =	swait.ge [sflag:s1], $0x6000  }
0x26e: {  	s2 =	rddreg [dreg:$0xe]  }
0x26f: {  	s31 =	rddreg [dreg:$0xd];
	s2 =	sadd.s32 $0x1, s2  }
0x270: {  	p0 =	sne.s32 s2, s31  }
.Ltmp4:
0x271: {  	_ = 	snop;
	(pc) =	sbr.rel @p0 .LBB2_1-.Ltmp4, $3  }
0x272: {  	_ =	sdelay $0x1  }
0x273: {  	[sflag:s1] =	ssyncset.done $0x0  }
0x274: {  	[sflag:s1] =	ssyncadd.s32 $0xFFFFA000  }
0x275: {  	_ =	sfence.sel $0x180000  }
0x276: {  	[bflag:$0x0] =	sbarrier.arrive $0xFFFF  }
0x277: {  	_ =	strace $0x90000047  }
0x278: {  	s0 =	stileid.u32;
	[bflag:$0x2] =	sbarrier.arrive $0xFFFF  }
0x279: {  	p0 =	sne.s32 s0, $0x0;
	s0 =	rddreg [dreg:$0x3]  }
0x27a: {  	s0 =	sadd.s32 @!p0 $0x100000, s0  }
0x27b: {  	[sflag:s0] =	ssyncadd.tile.s32 @!p0 $0x1;
	_ =	shalt  }
.Lfunc_end2:
_tile_overlayer_lowered:
.L_overlay_start_2:
0x27c: {  	(tag) =	ssettag $0x2  }
0x27d: {  	s0 =	rddreg [dreg:$0x0];
	s2 =	stileid.u32  }
0x27e: {  	s1 =	rddreg [dreg:$0x1];
	p0 =	sne.s32 s2, $0x0  }
0x27f: {  	s3 =	rddreg [dreg:$0x2];
	[bflag:$0x3] =	sbarrier.arrive $0xFFFF;
	s2 =	simm.s32 @!p0 $0x1C09  }
0x280: {  	[timem:s3], [sflag:s2] =	dma.local @!p0 [hbm:s0], s1  }
0x281: {  	s0 =	simm.s32 @!p0 $0x9  }
0x282: {  	_ =	swait.ge @!p0 [sflag:s0], s1  }
0x283: {  	s1 =	ssub.s32 @!p0 $0x0, s1;
	[sflag:s0] =	ssyncset.done @!p0 $0x0  }
0x284: {  	[sflag:s0] =	ssyncadd.s32 @!p0 s1  }
0x285: {  	[bflag:$0x3] =	sbarrier.arrive $0xFFFF  }
0x286: {  	_ =	shalt  }

</sc_bundles>
